<compile_context>
chip_gen: v7x
topology: tpu7x:2x2x1
jax: 0.10.2.dev20260603
libtpu: 0.0.44.dev20260713+nightly
codegen_flags: <defaults>
</compile_context>

<pallas_src>
import functools

import jax
import jax.numpy as jnp
from jax import lax
from jax.experimental import pallas as pl
from jax.experimental.pallas import tpu as pltpu
from jax.experimental.pallas import tpu_sc as plsc

D = 128
CHUNK = 128
NC = 2
NS = 16
NW = NC * NS


def _make_sc_agg(n_pad, k0, k1, with_deg):
  n_chunks = max(k0, k1)
  rows_per_tile = n_pad // NS
  zero_blocks = rows_per_tile // CHUNK
  mesh = plsc.VectorSubcoreMesh(core_axis_name="c", subcore_axis_name="s")

  out_type = [jax.ShapeDtypeStruct((NC, n_pad, D), jnp.float32)]
  if with_deg:
    out_type.append(jax.ShapeDtypeStruct((NC, n_pad), jnp.float32))

  scratch = [
      pltpu.VMEM((n_chunks, CHUNK), jnp.int32),
      pltpu.VMEM((n_chunks, CHUNK), jnp.int32),
      pltpu.VMEM((CHUNK, D), jnp.float32),
      pltpu.VMEM((CHUNK,), jnp.float32),
      pltpu.VMEM_SHARED((n_pad, D), jnp.float32),
      pltpu.VMEM_SHARED((n_pad,), jnp.float32),
      pltpu.SemaphoreType.DMA,
  ]

  @functools.partial(
      pl.kernel,
      mesh=mesh,
      out_type=tuple(out_type),
      scratch_types=scratch,
  )
  def sc_agg(x_hbm, src0_hbm, src1_hbm, dst0_hbm, dst1_hbm, *refs):
    if with_deg:
      sum_out, deg_out = refs[0], refs[1]
      rest = refs[2:]
    else:
      sum_out = refs[0]
      deg_out = None
      rest = refs[1:]
    src_v, dst_v, rows_v, ones_v, acc_sh, deg_sh, sem = rest

    c = lax.axis_index("c")
    s = lax.axis_index("s")
    wid = s * NC + c
    base = s * rows_per_tile

    def zfill(i, _):
      rows_v[i // (D // 16), pl.ds((i % (D // 16)) * 16, 16)] = (
          jnp.zeros((16,), jnp.float32))
      return 0
    lax.fori_loop(0, CHUNK * (D // 16), zfill, 0)
    for i in range(CHUNK // 16):
      ones_v[pl.ds(i * 16, 16)] = jnp.ones((16,), jnp.float32)

    for k in range(zero_blocks):
      pltpu.sync_copy(rows_v, acc_sh.at[pl.ds(base + k * CHUNK, CHUNK)])
    if with_deg:
      for k in range(zero_blocks):
        pltpu.sync_copy(rows_v.at[0], deg_sh.at[pl.ds(base + k * CHUNK, CHUNK)])
    plsc.subcore_barrier()

    @pl.when(c == 0)
    def _():
      pltpu.sync_copy(src0_hbm.at[s], src_v)
      pltpu.sync_copy(dst0_hbm.at[s], dst_v)
    @pl.when(c == 1)
    def _():
      pltpu.sync_copy(src1_hbm.at[s], src_v.at[pl.ds(0, k1)])
      pltpu.sync_copy(dst1_hbm.at[s], dst_v.at[pl.ds(0, k1)])

    def body(i, _):
      pltpu.async_copy(x_hbm.at[src_v.at[i]], rows_v, sem).wait()
      pltpu.sync_copy(rows_v, acc_sh.at[dst_v.at[i]], add=True)
      if with_deg:
        pltpu.sync_copy(ones_v, deg_sh.at[dst_v.at[i]], add=True)
      return 0
    my_chunks = jnp.where(c == 0, k0, k1)
    lax.fori_loop(0, my_chunks, body, 0)

    plsc.subcore_barrier()
    pltpu.sync_copy(acc_sh.at[pl.ds(base, rows_per_tile)],
                    sum_out.at[c, pl.ds(base, rows_per_tile)])
    if with_deg:
      pltpu.sync_copy(deg_sh.at[pl.ds(base, rows_per_tile)],
                      deg_out.at[c, pl.ds(base, rows_per_tile)])

  return sc_agg


def _dot(a, b):
  return jnp.dot(a, b, precision=lax.Precision.HIGHEST,
                 preferred_element_type=jnp.float32)


def _leaky(h):
  return jnp.where(h >= 0, h, 0.01 * h)


def _tc_layer1(sums, deg, xp, Wl, bl, Wr, n_pad, n, br):
  def body(sum_ref, deg_ref, x_ref, wl_ref, bl_ref, wr_ref, h_ref):
    s = sum_ref[0] + sum_ref[1]
    dg = jnp.clip(deg_ref[0, 0] + deg_ref[0, 1], 1.0, None)
    mean = s / dg[:, None]
    h = _dot(mean, wl_ref[...]) + bl_ref[...] + _dot(x_ref[...], wr_ref[...])
    norm = jnp.sqrt(jnp.sum(h * h, axis=1, keepdims=True))
    h = h / jnp.clip(norm, 1e-12, None)
    h_ref[...] = _leaky(h)

  return pl.pallas_call(
      body,
      grid=(n // br,),
      in_specs=[
          pl.BlockSpec((NC, br, D), lambda r: (0, r, 0)),
          pl.BlockSpec((1, NC, br), lambda r: (r, 0, 0)),
          pl.BlockSpec((br, D), lambda r: (r, 0)),
          pl.BlockSpec((D, D), lambda r: (0, 0)),
          pl.BlockSpec((1, D), lambda r: (0, 0)),
          pl.BlockSpec((D, D), lambda r: (0, 0)),
      ],
      out_specs=pl.BlockSpec((br, D), lambda r: (r, 0)),
      out_shape=jax.ShapeDtypeStruct((n, D), jnp.float32),
  )(sums, deg, xp, Wl, bl, Wr)


def _tc_layer2(sums, deg, hp, Wl, bl, Wr, Wlin, blin, n_pad, n, br):
  def body(sum_ref, deg_ref, h_ref, wl_ref, bl_ref, wr_ref, wlin_ref,
           blin_ref, out_ref):
    s = sum_ref[0] + sum_ref[1]
    dg = jnp.clip(deg_ref[0, 0] + deg_ref[0, 1], 1.0, None)
    mean = s / dg[:, None]
    h = _dot(mean, wl_ref[...]) + bl_ref[...] + _dot(h_ref[...], wr_ref[...])
    h = _leaky(h)
    out_ref[...] = _dot(h, wlin_ref[...]) + blin_ref[...]

  return pl.pallas_call(
      body,
      grid=(n // br,),
      in_specs=[
          pl.BlockSpec((NC, br, D), lambda r: (0, r, 0)),
          pl.BlockSpec((1, NC, br), lambda r: (r, 0, 0)),
          pl.BlockSpec((br, D), lambda r: (r, 0)),
          pl.BlockSpec((D, D), lambda r: (0, 0)),
          pl.BlockSpec((1, D), lambda r: (0, 0)),
          pl.BlockSpec((D, D), lambda r: (0, 0)),
          pl.BlockSpec((D, 1), lambda r: (0, 0)),
          pl.BlockSpec((1, 1), lambda r: (0, 0)),
      ],
      out_specs=pl.BlockSpec((br, 1), lambda r: (r, 0)),
      out_shape=jax.ShapeDtypeStruct((n, 1), jnp.float32),
  )(sums, deg, hp, Wl, bl, Wr, Wlin, blin)


def kernel(x, edge_index, edge_weight, Wl1, bl1, Wr1, Wl2, bl2, Wr2,
           Wlin, blin):
  del edge_weight
  n = x.shape[0]
  e = edge_index.shape[1]

  rows_per_tile = -(-(n + 1) // (NS * CHUNK)) * CHUNK
  n_pad = NS * rows_per_tile

  pair_chunks = -(-e // (NS * CHUNK))
  k0 = int(round(pair_chunks * 0.60))
  k1 = pair_chunks - k0
  e_pad = NS * pair_chunks * CHUNK

  def per_core_layout(flat):
    pool = flat.reshape(NS * pair_chunks, CHUNK)
    return (pool[:NS * k0].reshape(NS, k0, CHUNK),
            pool[NS * k0:].reshape(NS, k1, CHUNK))

  pad_dst = n + jnp.arange(e_pad - e, dtype=jnp.int32) % (n_pad - n)
  src0, src1 = per_core_layout(jnp.concatenate(
      [edge_index[0], jnp.zeros((e_pad - e,), jnp.int32)]))
  dst0, dst1 = per_core_layout(jnp.concatenate([edge_index[1], pad_dst]))

  sc_agg1 = _make_sc_agg(n_pad, k0, k1, with_deg=True)
  sc_agg2 = _make_sc_agg(n_pad, k0, k1, with_deg=False)

  br = next(b for b in (512, 400, 256, 200, 128, 80, 50, 40, 25, 20, 16,
                        10, 8, 5, 4, 2, 1) if n % b == 0)
  sums1, deg = sc_agg1(x, src0, src1, dst0, dst1)
  deg3 = deg[:, :n].reshape(NC, n // br, br).transpose(1, 0, 2)
  h1 = _tc_layer1(sums1, deg3, x, Wl1, bl1.reshape(1, D), Wr1, n_pad, n, br)
  (sums2,) = sc_agg2(h1, src0, src1, dst0, dst1)
  out = _tc_layer2(sums2, deg3, h1, Wl2, bl2.reshape(1, D), Wr2,
                   Wlin, blin.reshape(1, 1), n_pad, n, br)
  return out

# --- scband reference (transcript-rebuilt; emitter-appended) ---
"""Pipeline reference for scband-graph-sage-58153857188394 (READ-ONLY COPY).

The authoritative reference and input builder live on the scoring server;
editing this copy changes nothing except your own understanding.
"""

import jax, jax.numpy as jnp
import numpy as np

N = 10000
E = 320000
D = 128


def setup_inputs(seed: int = 0) -> dict:
    key = jax.random.key(seed)
    ks = jax.random.split(key, 12)
    x = jax.random.normal(ks[0], (N, D), dtype=jnp.float32)
    edge_index = jax.random.randint(ks[1], (2, E), 0, N, dtype=jnp.int32)
    edge_weight = jax.random.uniform(ks[2], (E,), dtype=jnp.float32)
    s = 1.0 / np.sqrt(D)
    Wl1 = jax.random.normal(ks[3], (D, D), dtype=jnp.float32) * s
    bl1 = jnp.zeros((D,), dtype=jnp.float32)
    Wr1 = jax.random.normal(ks[4], (D, D), dtype=jnp.float32) * s
    Wl2 = jax.random.normal(ks[5], (D, D), dtype=jnp.float32) * s
    bl2 = jnp.zeros((D,), dtype=jnp.float32)
    Wr2 = jax.random.normal(ks[6], (D, D), dtype=jnp.float32) * s
    Wlin = jax.random.normal(ks[7], (D, 1), dtype=jnp.float32) * s
    blin = jnp.zeros((1,), dtype=jnp.float32)
    return {"x": x, "edge_index": edge_index, "edge_weight": edge_weight,
            "Wl1": Wl1, "bl1": bl1, "Wr1": Wr1,
            "Wl2": Wl2, "bl2": bl2, "Wr2": Wr2,
            "Wlin": Wlin, "blin": blin}


def _sage_conv(x, edge_index, Wl, bl, Wr):
    # PyG SAGEConv with mean aggregation:
    # out = lin_l(mean_{j in N(i)} x_j) + lin_r(x_i)
    src = edge_index[0]
    dst = edge_index[1]
    n = x.shape[0]
    msgs = jnp.take(x, src, axis=0)
    summed = jax.ops.segment_sum(msgs, dst, num_segments=n)
    deg = jax.ops.segment_sum(jnp.ones((edge_index.shape[1],), dtype=x.dtype), dst, num_segments=n)
    mean = summed / jnp.clip(deg, 1.0, None)[:, None]
    return mean @ Wl + bl + x @ Wr


def reference(x, edge_index, edge_weight, Wl1, bl1, Wr1, Wl2, bl2, Wr2, Wlin, blin):
    # edge_weight is accepted by the original forward but unused by SAGEConv
    h = _sage_conv(x, edge_index, Wl1, bl1, Wr1)
    # normalize=True in conv1: L2-normalize output rows (F.normalize)
    norm = jnp.linalg.norm(h, axis=-1, keepdims=True)
    h = h / jnp.clip(norm, 1e-12, None)
    # dropout(0.2) is identity in eval/deterministic reference
    h = jax.nn.leaky_relu(h, negative_slope=0.01)
    h = _sage_conv(h, edge_index, Wl2, bl2, Wr2)
    h = jax.nn.leaky_relu(h, negative_slope=0.01)
    out = h @ Wlin + blin
    return out

if __name__ == "__main__":
    import jax
    _d = setup_inputs()
    print(jax.jit(kernel)(*tuple(_d.values())))

</pallas_src>

<mosaic_0001>
#map = affine_map<(d0, d1) -> (0, 0)>
#map1 = affine_map<(d0, d1) -> (0, 0, 0)>
module attributes {stable_mosaic.version = 14 : i64} {
  func.func @sc_agg(%arg0: i32, %arg1: i32, %arg2: memref<10000x128xf32, #tpu.memory_space<hbm>>, %arg3: memref<16x94x128xi32, #tpu.memory_space<hbm>>, %arg4: memref<16x63x128xi32, #tpu.memory_space<hbm>>, %arg5: memref<16x94x128xi32, #tpu.memory_space<hbm>>, %arg6: memref<16x63x128xi32, #tpu.memory_space<hbm>>, %arg7: memref<2x10240x128xf32, #tpu.memory_space<hbm>>, %arg8: memref<94x128xi32, #tpu.memory_space<vmem>>, %arg9: memref<94x128xi32, #tpu.memory_space<vmem>>, %arg10: memref<128x128xf32, #tpu.memory_space<vmem>>, %arg11: memref<128xf32, #tpu.memory_space<vmem>>, %arg12: memref<10240x128xf32, #tpu.memory_space<vmem_shared>>, %arg13: memref<10240xf32, #tpu.memory_space<vmem_shared>>, %arg14: memref<!tpu.dma_semaphore, #tpu.memory_space<semaphore_mem>>) attributes {dimension_semantics = [#tpu.dimension_semantics<core_parallel>, #tpu.dimension_semantics<subcore_parallel>], iteration_bounds = array<i64: 2, 16>, scalar_prefetch = 0 : i64, scratch_operands = 7 : i64, tpu.core_type = #tpu.core_type<sc_vector_subcore>, window_params = [{transform_indices = #map}, {transform_indices = #map1}, {transform_indices = #map1}, {transform_indices = #map1}, {transform_indices = #map1}, {transform_indices = #map1}]} {
    %mul3A = arith.constant 2 : i32
    %mul3A_0 = arith.muli %arg1, %mul3A : i32
    %add3A = arith.addi %mul3A_0, %arg0 : i32
    %mul3A_1 = arith.constant 640 : i32
    %mul3A_2 = arith.muli %arg1, %mul3A_1 : i32
    %scan3A = arith.constant 0 : i32
    %scan3A_3 = arith.constant 0 : i32
    %scan3A_4 = arith.constant 1024 : i32
    %scan3A_5 = arith.addi %scan3A_3, %scan3A_4 : i32
    %scan3A_6 = arith.constant 1 : i32
    %scan3A_7 = scf.for %scan3A_87 = %scan3A_3 to %scan3A_5 step %scan3A_6 iter_args(%scan3A_88 = %scan3A) -> (i32)  : i32 {
      %broadcast_in_dim3A_89 = arith.constant 0.000000e+00 : f32
      %broadcast_in_dim3A_90 = vector.broadcast %broadcast_in_dim3A_89 : f32 to vector<16xf32>
      %jit3A_91 = arith.constant 8 : i32
      %div3A = arith.divsi %scan3A_87, %jit3A_91 : i32
      %sign3A = arith.constant 0 : i32
      %sign3A_92 = arith.cmpi sgt, %scan3A_87, %sign3A : i32
      %sign3A_93 = arith.extui %sign3A_92 : i1 to i32
      %sign3A_94 = arith.constant 0 : i32
      %sign3A_95 = arith.cmpi slt, %scan3A_87, %sign3A_94 : i32
      %sign3A_96 = arith.extui %sign3A_95 : i1 to i32
      %sign3A_97 = arith.subi %sign3A_93, %sign3A_96 : i32
      %sign3A_98 = arith.constant 0 : i32
      %sign3A_99 = arith.cmpi sgt, %jit3A_91, %sign3A_98 : i32
      %sign3A_100 = arith.extui %sign3A_99 : i1 to i32
      %sign3A_101 = arith.constant 0 : i32
      %sign3A_102 = arith.cmpi slt, %jit3A_91, %sign3A_101 : i32
      %sign3A_103 = arith.extui %sign3A_102 : i1 to i32
      %sign3A_104 = arith.subi %sign3A_100, %sign3A_103 : i32
      %ne3A = arith.cmpi ne, %sign3A_97, %sign3A_104 : i32
      %rem3A = arith.remsi %scan3A_87, %jit3A_91 : i32
      %ne3A_105 = arith.constant 0 : i32
      %ne3A_106 = arith.cmpi ne, %rem3A, %ne3A_105 : i32
      %and3A = arith.andi %ne3A, %ne3A_106 : i1
      %sub3A = arith.constant 1 : i32
      %sub3A_107 = arith.subi %div3A, %sub3A : i32
      %select_n3A_108 = arith.select %and3A, %sub3A_107, %div3A : i32
      %jit3A_109 = arith.constant 8 : i32
      %eq3A_110 = arith.constant 0 : i32
      %eq3A_111 = arith.cmpi eq, %jit3A_109, %eq3A_110 : i32
      %jit3A_112 = arith.constant 1 : i32
      %select_n3A_113 = arith.select %eq3A_111, %jit3A_112, %jit3A_109 : i32
      %rem3A_114 = arith.remsi %scan3A_87, %select_n3A_113 : i32
      %ne3A_115 = arith.constant 0 : i32
      %ne3A_116 = arith.cmpi ne, %rem3A_114, %ne3A_115 : i32
      %lt3A = arith.constant 0 : i32
      %lt3A_117 = arith.cmpi slt, %rem3A_114, %lt3A : i32
      %lt3A_118 = arith.constant 0 : i32
      %lt3A_119 = arith.cmpi slt, %select_n3A_113, %lt3A_118 : i32
      %ne3A_120 = arith.xori %lt3A_117, %lt3A_119 : i1
      %and3A_121 = arith.andi %ne3A_120, %ne3A_116 : i1
      %add3A_122 = arith.addi %rem3A_114, %select_n3A_113 : i32
      %select_n3A_123 = arith.select %and3A_121, %add3A_122, %rem3A_114 : i32
      %mul3A_124 = arith.constant 16 : i32
      %mul3A_125 = arith.muli %select_n3A_123, %mul3A_124 : i32
      %swap3A_126 = arith.index_cast %select_n3A_108 : i32 to index
      %swap3A_127 = arith.index_cast %mul3A_125 : i32 to index
      %swap3A_128 = tpu.vector_load %arg10[%swap3A_126, %swap3A_127] {strides = array<i32>} : memref<128x128xf32, #tpu.memory_space<vmem>>, vector<1x16xf32>,
      %swap3A_129 = vector.shape_cast %swap3A_128 : vector<1x16xf32> to vector<16xf32>
      %swap3A_130 = vector.shape_cast %broadcast_in_dim3A_90 : vector<16xf32> to vector<1x16xf32>
      tpu.vector_store %arg10[%swap3A_126, %swap3A_127], %swap3A_130 {strides = array<i32>} : memref<128x128xf32, #tpu.memory_space<vmem>>, vector<1x16xf32>,
      %scan3A_131 = arith.constant 0 : i32
      scf.yield %scan3A_131 : i32
    }
    %scan3A_8 = arith.constant 1024 : i32
    %broadcast_in_dim3A = arith.constant 1.000000e+00 : f32
    %broadcast_in_dim3A_9 = vector.broadcast %broadcast_in_dim3A : f32 to vector<16xf32>
    %swap3A = arith.constant 0 : index
    %swap3A_10 = tpu.vector_load %arg11[%swap3A] {strides = array<i32>} : memref<128xf32, #tpu.memory_space<vmem>>, vector<16xf32>,
    %swap3A_11 = vector.shape_cast %swap3A_10 : vector<16xf32> to vector<16xf32>
    %swap3A_12 = vector.shape_cast %broadcast_in_dim3A_9 : vector<16xf32> to vector<16xf32>
    tpu.vector_store %arg11[%swap3A], %swap3A_12 {strides = array<i32>} : memref<128xf32, #tpu.memory_space<vmem>>, vector<16xf32>,
    %broadcast_in_dim3A_13 = arith.constant 1.000000e+00 : f32
    %broadcast_in_dim3A_14 = vector.broadcast %broadcast_in_dim3A_13 : f32 to vector<16xf32>
    %swap3A_15 = arith.constant 16 : index
    %swap3A_16 = tpu.vector_load %arg11[%swap3A_15] {strides = array<i32>} : memref<128xf32, #tpu.memory_space<vmem>>, vector<16xf32>,
    %swap3A_17 = vector.shape_cast %swap3A_16 : vector<16xf32> to vector<16xf32>
    %swap3A_18 = vector.shape_cast %broadcast_in_dim3A_14 : vector<16xf32> to vector<16xf32>
    tpu.vector_store %arg11[%swap3A_15], %swap3A_18 {strides = array<i32>} : memref<128xf32, #tpu.memory_space<vmem>>, vector<16xf32>,
    %broadcast_in_dim3A_19 = arith.constant 1.000000e+00 : f32
    %broadcast_in_dim3A_20 = vector.broadcast %broadcast_in_dim3A_19 : f32 to vector<16xf32>
    %swap3A_21 = arith.constant 32 : index
    %swap3A_22 = tpu.vector_load %arg11[%swap3A_21] {strides = array<i32>} : memref<128xf32, #tpu.memory_space<vmem>>, vector<16xf32>,
    %swap3A_23 = vector.shape_cast %swap3A_22 : vector<16xf32> to vector<16xf32>
    %swap3A_24 = vector.shape_cast %broadcast_in_dim3A_20 : vector<16xf32> to vector<16xf32>
    tpu.vector_store %arg11[%swap3A_21], %swap3A_24 {strides = array<i32>} : memref<128xf32, #tpu.memory_space<vmem>>, vector<16xf32>,
    %broadcast_in_dim3A_25 = arith.constant 1.000000e+00 : f32
    %broadcast_in_dim3A_26 = vector.broadcast %broadcast_in_dim3A_25 : f32 to vector<16xf32>
    %swap3A_27 = arith.constant 48 : index
    %swap3A_28 = tpu.vector_load %arg11[%swap3A_27] {strides = array<i32>} : memref<128xf32, #tpu.memory_space<vmem>>, vector<16xf32>,
    %swap3A_29 = vector.shape_cast %swap3A_28 : vector<16xf32> to vector<16xf32>
    %swap3A_30 = vector.shape_cast %broadcast_in_dim3A_26 : vector<16xf32> to vector<16xf32>
    tpu.vector_store %arg11[%swap3A_27], %swap3A_30 {strides = array<i32>} : memref<128xf32, #tpu.memory_space<vmem>>, vector<16xf32>,
    %broadcast_in_dim3A_31 = arith.constant 1.000000e+00 : f32
    %broadcast_in_dim3A_32 = vector.broadcast %broadcast_in_dim3A_31 : f32 to vector<16xf32>
    %swap3A_33 = arith.constant 64 : index
    %swap3A_34 = tpu.vector_load %arg11[%swap3A_33] {strides = array<i32>} : memref<128xf32, #tpu.memory_space<vmem>>, vector<16xf32>,
    %swap3A_35 = vector.shape_cast %swap3A_34 : vector<16xf32> to vector<16xf32>
    %swap3A_36 = vector.shape_cast %broadcast_in_dim3A_32 : vector<16xf32> to vector<16xf32>
    tpu.vector_store %arg11[%swap3A_33], %swap3A_36 {strides = array<i32>} : memref<128xf32, #tpu.memory_space<vmem>>, vector<16xf32>,
    %broadcast_in_dim3A_37 = arith.constant 1.000000e+00 : f32
    %broadcast_in_dim3A_38 = vector.broadcast %broadcast_in_dim3A_37 : f32 to vector<16xf32>
    %swap3A_39 = arith.constant 80 : index
    %swap3A_40 = tpu.vector_load %arg11[%swap3A_39] {strides = array<i32>} : memref<128xf32, #tpu.memory_space<vmem>>, vector<16xf32>,
    %swap3A_41 = vector.shape_cast %swap3A_40 : vector<16xf32> to vector<16xf32>
    %swap3A_42 = vector.shape_cast %broadcast_in_dim3A_38 : vector<16xf32> to vector<16xf32>
    tpu.vector_store %arg11[%swap3A_39], %swap3A_42 {strides = array<i32>} : memref<128xf32, #tpu.memory_space<vmem>>, vector<16xf32>,
    %broadcast_in_dim3A_43 = arith.constant 1.000000e+00 : f32
    %broadcast_in_dim3A_44 = vector.broadcast %broadcast_in_dim3A_43 : f32 to vector<16xf32>
    %swap3A_45 = arith.constant 96 : index
    %swap3A_46 = tpu.vector_load %arg11[%swap3A_45] {strides = array<i32>} : memref<128xf32, #tpu.memory_space<vmem>>, vector<16xf32>,
    %swap3A_47 = vector.shape_cast %swap3A_46 : vector<16xf32> to vector<16xf32>
    %swap3A_48 = vector.shape_cast %broadcast_in_dim3A_44 : vector<16xf32> to vector<16xf32>
    tpu.vector_store %arg11[%swap3A_45], %swap3A_48 {strides = array<i32>} : memref<128xf32, #tpu.memory_space<vmem>>, vector<16xf32>,
    %broadcast_in_dim3A_49 = arith.constant 1.000000e+00 : f32
    %broadcast_in_dim3A_50 = vector.broadcast %broadcast_in_dim3A_49 : f32 to vector<16xf32>
    %swap3A_51 = arith.constant 112 : index
    %swap3A_52 = tpu.vector_load %arg11[%swap3A_51] {strides = array<i32>} : memref<128xf32, #tpu.memory_space<vmem>>, vector<16xf32>,
    %swap3A_53 = vector.shape_cast %swap3A_52 : vector<16xf32> to vector<16xf32>
    %swap3A_54 = vector.shape_cast %broadcast_in_dim3A_50 : vector<16xf32> to vector<16xf32>
    tpu.vector_store %arg11[%swap3A_51], %swap3A_54 {strides = array<i32>} : memref<128xf32, #tpu.memory_space<vmem>>, vector<16xf32>,
    %add3A_55 = arith.constant 0 : i32
    %add3A_56 = arith.addi %mul3A_2, %add3A_55 : i32
    "tpu.region"() ({
      %run_scoped3A = tpu.sem_alloc : memref<!tpu.dma_semaphore, #tpu.memory_space<semaphore_mem>>
      %dma_start3A = arith.constant 0 : i32
      %dma_start3A_87 = tpu.memref_slice %arg12[%add3A_56, %dma_start3A] : memref<10240x128xf32, #tpu.memory_space<vmem_shared>> -> memref<128x128xf32, #tpu.memory_space<vmem_shared>>
      %dma_start3A_88 = arith.constant 0 : i32
      %dma_start3A_89 = tpu.memref_slice %arg12[%add3A_56, %dma_start3A_88] : memref<10240x128xf32, #tpu.memory_space<vmem_shared>> -> memref<128x128xf32, #tpu.memory_space<vmem_shared>>
      tpu.enqueue_dma source(%arg10 : memref<128x128xf32, #tpu.memory_space<vmem>>) target(%dma_start3A_89 : memref<128x128xf32, #tpu.memory_space<vmem_shared>>) target_semaphore(%run_scoped3A : memref<!tpu.dma_semaphore, #tpu.memory_space<semaphore_mem>>)
      %dma_wait3A = arith.constant 0 : i32
      %dma_wait3A_90 = tpu.memref_slice %arg12[%add3A_56, %dma_wait3A] : memref<10240x128xf32, #tpu.memory_space<vmem_shared>> -> memref<128x128xf32, #tpu.memory_space<vmem_shared>>
      %dma_wait3A_91 = arith.constant 0 : i32
      %dma_wait3A_92 = tpu.memref_slice %arg12[%add3A_56, %dma_wait3A_91] : memref<10240x128xf32, #tpu.memory_space<vmem_shared>> -> memref<128x128xf32, #tpu.memory_space<vmem_shared>>
      tpu.wait_dma2 semaphore(%run_scoped3A : memref<!tpu.dma_semaphore, #tpu.memory_space<semaphore_mem>>) src(%arg10 : memref<128x128xf32, #tpu.memory_space<vmem>>) dst(%dma_wait3A_92 : memref<128x128xf32, #tpu.memory_space<vmem_shared>>)
      tpu.yield
    }) : () -> ()
    %add3A_57 = arith.constant 128 : i32
    %add3A_58 = arith.addi %mul3A_2, %add3A_57 : i32
    "tpu.region"() ({
      %run_scoped3A = tpu.sem_alloc : memref<!tpu.dma_semaphore, #tpu.memory_space<semaphore_mem>>
      %dma_start3A = arith.constant 0 : i32
      %dma_start3A_87 = tpu.memref_slice %arg12[%add3A_58, %dma_start3A] : memref<10240x128xf32, #tpu.memory_space<vmem_shared>> -> memref<128x128xf32, #tpu.memory_space<vmem_shared>>
      %dma_start3A_88 = arith.constant 0 : i32
      %dma_start3A_89 = tpu.memref_slice %arg12[%add3A_58, %dma_start3A_88] : memref<10240x128xf32, #tpu.memory_space<vmem_shared>> -> memref<128x128xf32, #tpu.memory_space<vmem_shared>>
      tpu.enqueue_dma source(%arg10 : memref<128x128xf32, #tpu.memory_space<vmem>>) target(%dma_start3A_89 : memref<128x128xf32, #tpu.memory_space<vmem_shared>>) target_semaphore(%run_scoped3A : memref<!tpu.dma_semaphore, #tpu.memory_space<semaphore_mem>>)
      %dma_wait3A = arith.constant 0 : i32
      %dma_wait3A_90 = tpu.memref_slice %arg12[%add3A_58, %dma_wait3A] : memref<10240x128xf32, #tpu.memory_space<vmem_shared>> -> memref<128x128xf32, #tpu.memory_space<vmem_shared>>
      %dma_wait3A_91 = arith.constant 0 : i32
      %dma_wait3A_92 = tpu.memref_slice %arg12[%add3A_58, %dma_wait3A_91] : memref<10240x128xf32, #tpu.memory_space<vmem_shared>> -> memref<128x128xf32, #tpu.memory_space<vmem_shared>>
      tpu.wait_dma2 semaphore(%run_scoped3A : memref<!tpu.dma_semaphore, #tpu.memory_space<semaphore_mem>>) src(%arg10 : memref<128x128xf32, #tpu.memory_space<vmem>>) dst(%dma_wait3A_92 : memref<128x128xf32, #tpu.memory_space<vmem_shared>>)
      tpu.yield
    }) : () -> ()
    %add3A_59 = arith.constant 256 : i32
    %add3A_60 = arith.addi %mul3A_2, %add3A_59 : i32
    "tpu.region"() ({
      %run_scoped3A = tpu.sem_alloc : memref<!tpu.dma_semaphore, #tpu.memory_space<semaphore_mem>>
      %dma_start3A = arith.constant 0 : i32
      %dma_start3A_87 = tpu.memref_slice %arg12[%add3A_60, %dma_start3A] : memref<10240x128xf32, #tpu.memory_space<vmem_shared>> -> memref<128x128xf32, #tpu.memory_space<vmem_shared>>
      %dma_start3A_88 = arith.constant 0 : i32
      %dma_start3A_89 = tpu.memref_slice %arg12[%add3A_60, %dma_start3A_88] : memref<10240x128xf32, #tpu.memory_space<vmem_shared>> -> memref<128x128xf32, #tpu.memory_space<vmem_shared>>
      tpu.enqueue_dma source(%arg10 : memref<128x128xf32, #tpu.memory_space<vmem>>) target(%dma_start3A_89 : memref<128x128xf32, #tpu.memory_space<vmem_shared>>) target_semaphore(%run_scoped3A : memref<!tpu.dma_semaphore, #tpu.memory_space<semaphore_mem>>)
      %dma_wait3A = arith.constant 0 : i32
      %dma_wait3A_90 = tpu.memref_slice %arg12[%add3A_60, %dma_wait3A] : memref<10240x128xf32, #tpu.memory_space<vmem_shared>> -> memref<128x128xf32, #tpu.memory_space<vmem_shared>>
      %dma_wait3A_91 = arith.constant 0 : i32
      %dma_wait3A_92 = tpu.memref_slice %arg12[%add3A_60, %dma_wait3A_91] : memref<10240x128xf32, #tpu.memory_space<vmem_shared>> -> memref<128x128xf32, #tpu.memory_space<vmem_shared>>
      tpu.wait_dma2 semaphore(%run_scoped3A : memref<!tpu.dma_semaphore, #tpu.memory_space<semaphore_mem>>) src(%arg10 : memref<128x128xf32, #tpu.memory_space<vmem>>) dst(%dma_wait3A_92 : memref<128x128xf32, #tpu.memory_space<vmem_shared>>)
      tpu.yield
    }) : () -> ()
    %add3A_61 = arith.constant 384 : i32
    %add3A_62 = arith.addi %mul3A_2, %add3A_61 : i32
    "tpu.region"() ({
      %run_scoped3A = tpu.sem_alloc : memref<!tpu.dma_semaphore, #tpu.memory_space<semaphore_mem>>
      %dma_start3A = arith.constant 0 : i32
      %dma_start3A_87 = tpu.memref_slice %arg12[%add3A_62, %dma_start3A] : memref<10240x128xf32, #tpu.memory_space<vmem_shared>> -> memref<128x128xf32, #tpu.memory_space<vmem_shared>>
      %dma_start3A_88 = arith.constant 0 : i32
      %dma_start3A_89 = tpu.memref_slice %arg12[%add3A_62, %dma_start3A_88] : memref<10240x128xf32, #tpu.memory_space<vmem_shared>> -> memref<128x128xf32, #tpu.memory_space<vmem_shared>>
      tpu.enqueue_dma source(%arg10 : memref<128x128xf32, #tpu.memory_space<vmem>>) target(%dma_start3A_89 : memref<128x128xf32, #tpu.memory_space<vmem_shared>>) target_semaphore(%run_scoped3A : memref<!tpu.dma_semaphore, #tpu.memory_space<semaphore_mem>>)
      %dma_wait3A = arith.constant 0 : i32
      %dma_wait3A_90 = tpu.memref_slice %arg12[%add3A_62, %dma_wait3A] : memref<10240x128xf32, #tpu.memory_space<vmem_shared>> -> memref<128x128xf32, #tpu.memory_space<vmem_shared>>
      %dma_wait3A_91 = arith.constant 0 : i32
      %dma_wait3A_92 = tpu.memref_slice %arg12[%add3A_62, %dma_wait3A_91] : memref<10240x128xf32, #tpu.memory_space<vmem_shared>> -> memref<128x128xf32, #tpu.memory_space<vmem_shared>>
      tpu.wait_dma2 semaphore(%run_scoped3A : memref<!tpu.dma_semaphore, #tpu.memory_space<semaphore_mem>>) src(%arg10 : memref<128x128xf32, #tpu.memory_space<vmem>>) dst(%dma_wait3A_92 : memref<128x128xf32, #tpu.memory_space<vmem_shared>>)
      tpu.yield
    }) : () -> ()
    %add3A_63 = arith.constant 512 : i32
    %add3A_64 = arith.addi %mul3A_2, %add3A_63 : i32
    "tpu.region"() ({
      %run_scoped3A = tpu.sem_alloc : memref<!tpu.dma_semaphore, #tpu.memory_space<semaphore_mem>>
      %dma_start3A = arith.constant 0 : i32
      %dma_start3A_87 = tpu.memref_slice %arg12[%add3A_64, %dma_start3A] : memref<10240x128xf32, #tpu.memory_space<vmem_shared>> -> memref<128x128xf32, #tpu.memory_space<vmem_shared>>
      %dma_start3A_88 = arith.constant 0 : i32
      %dma_start3A_89 = tpu.memref_slice %arg12[%add3A_64, %dma_start3A_88] : memref<10240x128xf32, #tpu.memory_space<vmem_shared>> -> memref<128x128xf32, #tpu.memory_space<vmem_shared>>
      tpu.enqueue_dma source(%arg10 : memref<128x128xf32, #tpu.memory_space<vmem>>) target(%dma_start3A_89 : memref<128x128xf32, #tpu.memory_space<vmem_shared>>) target_semaphore(%run_scoped3A : memref<!tpu.dma_semaphore, #tpu.memory_space<semaphore_mem>>)
      %dma_wait3A = arith.constant 0 : i32
      %dma_wait3A_90 = tpu.memref_slice %arg12[%add3A_64, %dma_wait3A] : memref<10240x128xf32, #tpu.memory_space<vmem_shared>> -> memref<128x128xf32, #tpu.memory_space<vmem_shared>>
      %dma_wait3A_91 = arith.constant 0 : i32
      %dma_wait3A_92 = tpu.memref_slice %arg12[%add3A_64, %dma_wait3A_91] : memref<10240x128xf32, #tpu.memory_space<vmem_shared>> -> memref<128x128xf32, #tpu.memory_space<vmem_shared>>
      tpu.wait_dma2 semaphore(%run_scoped3A : memref<!tpu.dma_semaphore, #tpu.memory_space<semaphore_mem>>) src(%arg10 : memref<128x128xf32, #tpu.memory_space<vmem>>) dst(%dma_wait3A_92 : memref<128x128xf32, #tpu.memory_space<vmem_shared>>)
      tpu.yield
    }) : () -> ()
    %barrier3A = arith.constant 0 : index
    tpu.barrier barrier_id(%barrier3A)
    %eq3A = arith.constant 0 : i32
    %eq3A_65 = arith.cmpi eq, %arg0, %eq3A : i32
    %convert_element_type3A = arith.extui %eq3A_65 : i1 to i32
    %cond3A = arith.constant 0 : i32
    %cond3A_66 = arith.cmpi ne, %convert_element_type3A, %cond3A : i32
    scf.if %cond3A_66 {
      "tpu.region"() ({
        %run_scoped3A = tpu.sem_alloc : memref<!tpu.dma_semaphore, #tpu.memory_space<semaphore_mem>>
        %dma_start3A = arith.constant 0 : i32
        %dma_start3A_87 = arith.constant 0 : i32
        %dma_start3A_88 = tpu.memref_slice %arg3[%arg1, %dma_start3A, %dma_start3A_87] : memref<16x94x128xi32, #tpu.memory_space<hbm>> -> memref<1x94x128xi32, #tpu.memory_space<hbm>>
        %dma_start3A_89 = tpu.memref_squeeze %dma_start3A_88 : memref<1x94x128xi32, #tpu.memory_space<hbm>> -> memref<94x128xi32, #tpu.memory_space<hbm>>
        %dma_start3A_90 = arith.constant 0 : i32
        %dma_start3A_91 = arith.constant 0 : i32
        %dma_start3A_92 = tpu.memref_slice %arg3[%arg1, %dma_start3A_90, %dma_start3A_91] : memref<16x94x128xi32, #tpu.memory_space<hbm>> -> memref<1x94x128xi32, #tpu.memory_space<hbm>>
        %dma_start3A_93 = tpu.memref_squeeze %dma_start3A_92 : memref<1x94x128xi32, #tpu.memory_space<hbm>> -> memref<94x128xi32, #tpu.memory_space<hbm>>
        tpu.enqueue_dma source(%dma_start3A_93 : memref<94x128xi32, #tpu.memory_space<hbm>>) target(%arg8 : memref<94x128xi32, #tpu.memory_space<vmem>>) target_semaphore(%run_scoped3A : memref<!tpu.dma_semaphore, #tpu.memory_space<semaphore_mem>>)
        %dma_wait3A = arith.constant 0 : i32
        %dma_wait3A_94 = arith.constant 0 : i32
        %dma_wait3A_95 = tpu.memref_slice %arg3[%arg1, %dma_wait3A, %dma_wait3A_94] : memref<16x94x128xi32, #tpu.memory_space<hbm>> -> memref<1x94x128xi32, #tpu.memory_space<hbm>>
        %dma_wait3A_96 = tpu.memref_squeeze %dma_wait3A_95 : memref<1x94x128xi32, #tpu.memory_space<hbm>> -> memref<94x128xi32, #tpu.memory_space<hbm>>
        %dma_wait3A_97 = arith.constant 0 : i32
        %dma_wait3A_98 = arith.constant 0 : i32
        %dma_wait3A_99 = tpu.memref_slice %arg3[%arg1, %dma_wait3A_97, %dma_wait3A_98] : memref<16x94x128xi32, #tpu.memory_space<hbm>> -> memref<1x94x128xi32, #tpu.memory_space<hbm>>
        %dma_wait3A_100 = tpu.memref_squeeze %dma_wait3A_99 : memref<1x94x128xi32, #tpu.memory_space<hbm>> -> memref<94x128xi32, #tpu.memory_space<hbm>>
        tpu.wait_dma2 semaphore(%run_scoped3A : memref<!tpu.dma_semaphore, #tpu.memory_space<semaphore_mem>>) src(%dma_wait3A_100 : memref<94x128xi32, #tpu.memory_space<hbm>>) dst(%arg8 : memref<94x128xi32, #tpu.memory_space<vmem>>)
        tpu.yield
      }) : () -> ()
      "tpu.region"() ({
        %run_scoped3A = tpu.sem_alloc : memref<!tpu.dma_semaphore, #tpu.memory_space<semaphore_mem>>
        %dma_start3A = arith.constant 0 : i32
        %dma_start3A_87 = arith.constant 0 : i32
        %dma_start3A_88 = tpu.memref_slice %arg5[%arg1, %dma_start3A, %dma_start3A_87] : memref<16x94x128xi32, #tpu.memory_space<hbm>> -> memref<1x94x128xi32, #tpu.memory_space<hbm>>
        %dma_start3A_89 = tpu.memref_squeeze %dma_start3A_88 : memref<1x94x128xi32, #tpu.memory_space<hbm>> -> memref<94x128xi32, #tpu.memory_space<hbm>>
        %dma_start3A_90 = arith.constant 0 : i32
        %dma_start3A_91 = arith.constant 0 : i32
        %dma_start3A_92 = tpu.memref_slice %arg5[%arg1, %dma_start3A_90, %dma_start3A_91] : memref<16x94x128xi32, #tpu.memory_space<hbm>> -> memref<1x94x128xi32, #tpu.memory_space<hbm>>
        %dma_start3A_93 = tpu.memref_squeeze %dma_start3A_92 : memref<1x94x128xi32, #tpu.memory_space<hbm>> -> memref<94x128xi32, #tpu.memory_space<hbm>>
        tpu.enqueue_dma source(%dma_start3A_93 : memref<94x128xi32, #tpu.memory_space<hbm>>) target(%arg9 : memref<94x128xi32, #tpu.memory_space<vmem>>) target_semaphore(%run_scoped3A : memref<!tpu.dma_semaphore, #tpu.memory_space<semaphore_mem>>)
        %dma_wait3A = arith.constant 0 : i32
        %dma_wait3A_94 = arith.constant 0 : i32
        %dma_wait3A_95 = tpu.memref_slice %arg5[%arg1, %dma_wait3A, %dma_wait3A_94] : memref<16x94x128xi32, #tpu.memory_space<hbm>> -> memref<1x94x128xi32, #tpu.memory_space<hbm>>
        %dma_wait3A_96 = tpu.memref_squeeze %dma_wait3A_95 : memref<1x94x128xi32, #tpu.memory_space<hbm>> -> memref<94x128xi32, #tpu.memory_space<hbm>>
        %dma_wait3A_97 = arith.constant 0 : i32
        %dma_wait3A_98 = arith.constant 0 : i32
        %dma_wait3A_99 = tpu.memref_slice %arg5[%arg1, %dma_wait3A_97, %dma_wait3A_98] : memref<16x94x128xi32, #tpu.memory_space<hbm>> -> memref<1x94x128xi32, #tpu.memory_space<hbm>>
        %dma_wait3A_100 = tpu.memref_squeeze %dma_wait3A_99 : memref<1x94x128xi32, #tpu.memory_space<hbm>> -> memref<94x128xi32, #tpu.memory_space<hbm>>
        tpu.wait_dma2 semaphore(%run_scoped3A : memref<!tpu.dma_semaphore, #tpu.memory_space<semaphore_mem>>) src(%dma_wait3A_100 : memref<94x128xi32, #tpu.memory_space<hbm>>) dst(%arg9 : memref<94x128xi32, #tpu.memory_space<vmem>>)
        tpu.yield
      }) : () -> ()
    } else {
    }
    %eq3A_67 = arith.constant 1 : i32
    %eq3A_68 = arith.cmpi eq, %arg0, %eq3A_67 : i32
    %convert_element_type3A_69 = arith.extui %eq3A_68 : i1 to i32
    %cond3A_70 = arith.constant 0 : i32
    %cond3A_71 = arith.cmpi ne, %convert_element_type3A_69, %cond3A_70 : i32
    scf.if %cond3A_71 {
      "tpu.region"() ({
        %run_scoped3A = tpu.sem_alloc : memref<!tpu.dma_semaphore, #tpu.memory_space<semaphore_mem>>
        %dma_start3A = arith.constant 0 : i32
        %dma_start3A_87 = arith.constant 0 : i32
        %dma_start3A_88 = tpu.memref_slice %arg8[%dma_start3A, %dma_start3A_87] : memref<94x128xi32, #tpu.memory_space<vmem>> -> memref<63x128xi32, #tpu.memory_space<vmem>>
        %dma_start3A_89 = arith.constant 0 : i32
        %dma_start3A_90 = arith.constant 0 : i32
        %dma_start3A_91 = tpu.memref_slice %arg4[%arg1, %dma_start3A_89, %dma_start3A_90] : memref<16x63x128xi32, #tpu.memory_space<hbm>> -> memref<1x63x128xi32, #tpu.memory_space<hbm>>
        %dma_start3A_92 = tpu.memref_squeeze %dma_start3A_91 : memref<1x63x128xi32, #tpu.memory_space<hbm>> -> memref<63x128xi32, #tpu.memory_space<hbm>>
        %dma_start3A_93 = arith.constant 0 : i32
        %dma_start3A_94 = arith.constant 0 : i32
        %dma_start3A_95 = tpu.memref_slice %arg8[%dma_start3A_93, %dma_start3A_94] : memref<94x128xi32, #tpu.memory_space<vmem>> -> memref<63x128xi32, #tpu.memory_space<vmem>>
        %dma_start3A_96 = arith.constant 0 : i32
        %dma_start3A_97 = arith.constant 0 : i32
        %dma_start3A_98 = tpu.memref_slice %arg4[%arg1, %dma_start3A_96, %dma_start3A_97] : memref<16x63x128xi32, #tpu.memory_space<hbm>> -> memref<1x63x128xi32, #tpu.memory_space<hbm>>
        %dma_start3A_99 = tpu.memref_squeeze %dma_start3A_98 : memref<1x63x128xi32, #tpu.memory_space<hbm>> -> memref<63x128xi32, #tpu.memory_space<hbm>>
        tpu.enqueue_dma source(%dma_start3A_99 : memref<63x128xi32, #tpu.memory_space<hbm>>) target(%dma_start3A_95 : memref<63x128xi32, #tpu.memory_space<vmem>>) target_semaphore(%run_scoped3A : memref<!tpu.dma_semaphore, #tpu.memory_space<semaphore_mem>>)
        %dma_wait3A = arith.constant 0 : i32
        %dma_wait3A_100 = arith.constant 0 : i32
        %dma_wait3A_101 = tpu.memref_slice %arg8[%dma_wait3A, %dma_wait3A_100] : memref<94x128xi32, #tpu.memory_space<vmem>> -> memref<63x128xi32, #tpu.memory_space<vmem>>
        %dma_wait3A_102 = arith.constant 0 : i32
        %dma_wait3A_103 = arith.constant 0 : i32
        %dma_wait3A_104 = tpu.memref_slice %arg4[%arg1, %dma_wait3A_102, %dma_wait3A_103] : memref<16x63x128xi32, #tpu.memory_space<hbm>> -> memref<1x63x128xi32, #tpu.memory_space<hbm>>
        %dma_wait3A_105 = tpu.memref_squeeze %dma_wait3A_104 : memref<1x63x128xi32, #tpu.memory_space<hbm>> -> memref<63x128xi32, #tpu.memory_space<hbm>>
        %dma_wait3A_106 = arith.constant 0 : i32
        %dma_wait3A_107 = arith.constant 0 : i32
        %dma_wait3A_108 = tpu.memref_slice %arg8[%dma_wait3A_106, %dma_wait3A_107] : memref<94x128xi32, #tpu.memory_space<vmem>> -> memref<63x128xi32, #tpu.memory_space<vmem>>
        %dma_wait3A_109 = arith.constant 0 : i32
        %dma_wait3A_110 = arith.constant 0 : i32
        %dma_wait3A_111 = tpu.memref_slice %arg4[%arg1, %dma_wait3A_109, %dma_wait3A_110] : memref<16x63x128xi32, #tpu.memory_space<hbm>> -> memref<1x63x128xi32, #tpu.memory_space<hbm>>
        %dma_wait3A_112 = tpu.memref_squeeze %dma_wait3A_111 : memref<1x63x128xi32, #tpu.memory_space<hbm>> -> memref<63x128xi32, #tpu.memory_space<hbm>>
        tpu.wait_dma2 semaphore(%run_scoped3A : memref<!tpu.dma_semaphore, #tpu.memory_space<semaphore_mem>>) src(%dma_wait3A_112 : memref<63x128xi32, #tpu.memory_space<hbm>>) dst(%dma_wait3A_108 : memref<63x128xi32, #tpu.memory_space<vmem>>)
        tpu.yield
      }) : () -> ()
      "tpu.region"() ({
        %run_scoped3A = tpu.sem_alloc : memref<!tpu.dma_semaphore, #tpu.memory_space<semaphore_mem>>
        %dma_start3A = arith.constant 0 : i32
        %dma_start3A_87 = arith.constant 0 : i32
        %dma_start3A_88 = tpu.memref_slice %arg9[%dma_start3A, %dma_start3A_87] : memref<94x128xi32, #tpu.memory_space<vmem>> -> memref<63x128xi32, #tpu.memory_space<vmem>>
        %dma_start3A_89 = arith.constant 0 : i32
        %dma_start3A_90 = arith.constant 0 : i32
        %dma_start3A_91 = tpu.memref_slice %arg6[%arg1, %dma_start3A_89, %dma_start3A_90] : memref<16x63x128xi32, #tpu.memory_space<hbm>> -> memref<1x63x128xi32, #tpu.memory_space<hbm>>
        %dma_start3A_92 = tpu.memref_squeeze %dma_start3A_91 : memref<1x63x128xi32, #tpu.memory_space<hbm>> -> memref<63x128xi32, #tpu.memory_space<hbm>>
        %dma_start3A_93 = arith.constant 0 : i32
        %dma_start3A_94 = arith.constant 0 : i32
        %dma_start3A_95 = tpu.memref_slice %arg9[%dma_start3A_93, %dma_start3A_94] : memref<94x128xi32, #tpu.memory_space<vmem>> -> memref<63x128xi32, #tpu.memory_space<vmem>>
        %dma_start3A_96 = arith.constant 0 : i32
        %dma_start3A_97 = arith.constant 0 : i32
        %dma_start3A_98 = tpu.memref_slice %arg6[%arg1, %dma_start3A_96, %dma_start3A_97] : memref<16x63x128xi32, #tpu.memory_space<hbm>> -> memref<1x63x128xi32, #tpu.memory_space<hbm>>
        %dma_start3A_99 = tpu.memref_squeeze %dma_start3A_98 : memref<1x63x128xi32, #tpu.memory_space<hbm>> -> memref<63x128xi32, #tpu.memory_space<hbm>>
        tpu.enqueue_dma source(%dma_start3A_99 : memref<63x128xi32, #tpu.memory_space<hbm>>) target(%dma_start3A_95 : memref<63x128xi32, #tpu.memory_space<vmem>>) target_semaphore(%run_scoped3A : memref<!tpu.dma_semaphore, #tpu.memory_space<semaphore_mem>>)
        %dma_wait3A = arith.constant 0 : i32
        %dma_wait3A_100 = arith.constant 0 : i32
        %dma_wait3A_101 = tpu.memref_slice %arg9[%dma_wait3A, %dma_wait3A_100] : memref<94x128xi32, #tpu.memory_space<vmem>> -> memref<63x128xi32, #tpu.memory_space<vmem>>
        %dma_wait3A_102 = arith.constant 0 : i32
        %dma_wait3A_103 = arith.constant 0 : i32
        %dma_wait3A_104 = tpu.memref_slice %arg6[%arg1, %dma_wait3A_102, %dma_wait3A_103] : memref<16x63x128xi32, #tpu.memory_space<hbm>> -> memref<1x63x128xi32, #tpu.memory_space<hbm>>
        %dma_wait3A_105 = tpu.memref_squeeze %dma_wait3A_104 : memref<1x63x128xi32, #tpu.memory_space<hbm>> -> memref<63x128xi32, #tpu.memory_space<hbm>>
        %dma_wait3A_106 = arith.constant 0 : i32
        %dma_wait3A_107 = arith.constant 0 : i32
        %dma_wait3A_108 = tpu.memref_slice %arg9[%dma_wait3A_106, %dma_wait3A_107] : memref<94x128xi32, #tpu.memory_space<vmem>> -> memref<63x128xi32, #tpu.memory_space<vmem>>
        %dma_wait3A_109 = arith.constant 0 : i32
        %dma_wait3A_110 = arith.constant 0 : i32
        %dma_wait3A_111 = tpu.memref_slice %arg6[%arg1, %dma_wait3A_109, %dma_wait3A_110] : memref<16x63x128xi32, #tpu.memory_space<hbm>> -> memref<1x63x128xi32, #tpu.memory_space<hbm>>
        %dma_wait3A_112 = tpu.memref_squeeze %dma_wait3A_111 : memref<1x63x128xi32, #tpu.memory_space<hbm>> -> memref<63x128xi32, #tpu.memory_space<hbm>>
        tpu.wait_dma2 semaphore(%run_scoped3A : memref<!tpu.dma_semaphore, #tpu.memory_space<semaphore_mem>>) src(%dma_wait3A_112 : memref<63x128xi32, #tpu.memory_space<hbm>>) dst(%dma_wait3A_108 : memref<63x128xi32, #tpu.memory_space<vmem>>)
        tpu.yield
      }) : () -> ()
    } else {
    }
    %eq3A_72 = arith.constant 0 : i32
    %eq3A_73 = arith.cmpi eq, %arg0, %eq3A_72 : i32
    %jit3A = arith.constant 94 : i32
    %jit3A_74 = arith.constant 63 : i32
    %select_n3A = arith.select %eq3A_73, %jit3A, %jit3A_74 : i32
    %while3A = arith.constant 0 : i32
    %while3A_75 = arith.constant 0 : i32
    %while3A_76 = arith.subi %select_n3A, %while3A : i32
    %while3A_77 = arith.addi %while3A, %while3A_76 : i32
    %while3A_78 = arith.constant 1 : i32
    %while3A_79 = arith.divsi %while3A_76, %while3A_78 : i32
    %while3A_80 = arith.muli %while3A_79, %while3A_78 : i32
    %while3A_81 = arith.addi %while3A, %while3A_80 : i32
    %while3A_82 = arith.constant 1 : i32
    %while3A_83 = scf.for %while3A_87 = %while3A to %while3A_81 step %while3A_82 iter_args(%while3A_88 = %while3A_75) -> (i32)  : i32 {
      %dma_start3A = arith.constant 0 : i32
      %dma_start3A_89 = tpu.memref_slice %arg8[%while3A_87, %dma_start3A] : memref<94x128xi32, #tpu.memory_space<vmem>> -> memref<1x128xi32, #tpu.memory_space<vmem>>
      %dma_start3A_90 = tpu.memref_squeeze %dma_start3A_89 : memref<1x128xi32, #tpu.memory_space<vmem>> -> memref<128xi32, #tpu.memory_space<vmem>>
      %dma_start3A_91 = arith.constant 0 : i32
      %dma_start3A_92 = arith.constant 0 : i32
      %dma_start3A_93 = tpu.memref_slice %arg2[%dma_start3A_91, %dma_start3A_92] : memref<10000x128xf32, #tpu.memory_space<hbm>> -> memref<10000x128xf32, #tpu.memory_space<hbm>>
      tpu.enqueue_indirect_dma source(%dma_start3A_93 : memref<10000x128xf32, #tpu.memory_space<hbm>>) target(%arg10 : memref<128x128xf32, #tpu.memory_space<vmem>>) offsets(%dma_start3A_90 : memref<128xi32, #tpu.memory_space<vmem>>) semaphore(%arg14 : memref<!tpu.dma_semaphore, #tpu.memory_space<semaphore_mem>>)
      %dma_wait3A = arith.constant 0 : i32
      %dma_wait3A_94 = tpu.memref_slice %arg8[%while3A_87, %dma_wait3A] : memref<94x128xi32, #tpu.memory_space<vmem>> -> memref<1x128xi32, #tpu.memory_space<vmem>>
      %dma_wait3A_95 = tpu.memref_squeeze %dma_wait3A_94 : memref<1x128xi32, #tpu.memory_space<vmem>> -> memref<128xi32, #tpu.memory_space<vmem>>
      %dma_wait3A_96 = arith.constant 0 : i32
      %dma_wait3A_97 = arith.constant 0 : i32
      %dma_wait3A_98 = tpu.memref_slice %arg2[%dma_wait3A_96, %dma_wait3A_97] : memref<10000x128xf32, #tpu.memory_space<hbm>> -> memref<10000x128xf32, #tpu.memory_space<hbm>>
      tpu.wait_indirect_dma semaphore(%arg14 : memref<!tpu.dma_semaphore, #tpu.memory_space<semaphore_mem>>) src(%dma_wait3A_98 : memref<10000x128xf32, #tpu.memory_space<hbm>>) dst(%arg10 : memref<128x128xf32, #tpu.memory_space<vmem>>)
      "tpu.region"() ({
        %run_scoped3A = tpu.sem_alloc : memref<!tpu.dma_semaphore, #tpu.memory_space<semaphore_mem>>
        %dma_start3A_100 = arith.constant 0 : i32
        %dma_start3A_101 = tpu.memref_slice %arg9[%while3A_87, %dma_start3A_100] : memref<94x128xi32, #tpu.memory_space<vmem>> -> memref<1x128xi32, #tpu.memory_space<vmem>>
        %dma_start3A_102 = tpu.memref_squeeze %dma_start3A_101 : memref<1x128xi32, #tpu.memory_space<vmem>> -> memref<128xi32, #tpu.memory_space<vmem>>
        %dma_start3A_103 = arith.constant 0 : i32
        %dma_start3A_104 = arith.constant 0 : i32
        %dma_start3A_105 = tpu.memref_slice %arg12[%dma_start3A_103, %dma_start3A_104] : memref<10240x128xf32, #tpu.memory_space<vmem_shared>> -> memref<10240x128xf32, #tpu.memory_space<vmem_shared>>
        tpu.enqueue_indirect_dma source(%arg10 : memref<128x128xf32, #tpu.memory_space<vmem>>) target(%dma_start3A_105 : memref<10240x128xf32, #tpu.memory_space<vmem_shared>>) offsets(%dma_start3A_102 : memref<128xi32, #tpu.memory_space<vmem>>) semaphore(%run_scoped3A : memref<!tpu.dma_semaphore, #tpu.memory_space<semaphore_mem>>) {add = true}
        %dma_wait3A_106 = arith.constant 0 : i32
        %dma_wait3A_107 = tpu.memref_slice %arg9[%while3A_87, %dma_wait3A_106] : memref<94x128xi32, #tpu.memory_space<vmem>> -> memref<1x128xi32, #tpu.memory_space<vmem>>
        %dma_wait3A_108 = tpu.memref_squeeze %dma_wait3A_107 : memref<1x128xi32, #tpu.memory_space<vmem>> -> memref<128xi32, #tpu.memory_space<vmem>>
        %dma_wait3A_109 = arith.constant 0 : i32
        %dma_wait3A_110 = arith.constant 0 : i32
        %dma_wait3A_111 = tpu.memref_slice %arg12[%dma_wait3A_109, %dma_wait3A_110] : memref<10240x128xf32, #tpu.memory_space<vmem_shared>> -> memref<10240x128xf32, #tpu.memory_space<vmem_shared>>
        tpu.wait_indirect_dma semaphore(%run_scoped3A : memref<!tpu.dma_semaphore, #tpu.memory_space<semaphore_mem>>) src(%arg10 : memref<128x128xf32, #tpu.memory_space<vmem>>) dst(%dma_wait3A_111 : memref<10240x128xf32, #tpu.memory_space<vmem_shared>>)
        tpu.yield
      }) : () -> ()
      %while3A_99 = arith.constant 0 : i32
      scf.yield %while3A_99 : i32
    }
    %while3A_84 = arith.constant 1 : i32
    %while3A_85 = scf.for %while3A_87 = %while3A_81 to %while3A_77 step %while3A_84 iter_args(%while3A_88 = %while3A_83) -> (i32)  : i32 {
      %dma_start3A = arith.constant 0 : i32
      %dma_start3A_89 = tpu.memref_slice %arg8[%while3A_87, %dma_start3A] : memref<94x128xi32, #tpu.memory_space<vmem>> -> memref<1x128xi32, #tpu.memory_space<vmem>>
      %dma_start3A_90 = tpu.memref_squeeze %dma_start3A_89 : memref<1x128xi32, #tpu.memory_space<vmem>> -> memref<128xi32, #tpu.memory_space<vmem>>
      %dma_start3A_91 = arith.constant 0 : i32
      %dma_start3A_92 = arith.constant 0 : i32
      %dma_start3A_93 = tpu.memref_slice %arg2[%dma_start3A_91, %dma_start3A_92] : memref<10000x128xf32, #tpu.memory_space<hbm>> -> memref<10000x128xf32, #tpu.memory_space<hbm>>
      tpu.enqueue_indirect_dma source(%dma_start3A_93 : memref<10000x128xf32, #tpu.memory_space<hbm>>) target(%arg10 : memref<128x128xf32, #tpu.memory_space<vmem>>) offsets(%dma_start3A_90 : memref<128xi32, #tpu.memory_space<vmem>>) semaphore(%arg14 : memref<!tpu.dma_semaphore, #tpu.memory_space<semaphore_mem>>)
      %dma_wait3A = arith.constant 0 : i32
      %dma_wait3A_94 = tpu.memref_slice %arg8[%while3A_87, %dma_wait3A] : memref<94x128xi32, #tpu.memory_space<vmem>> -> memref<1x128xi32, #tpu.memory_space<vmem>>
      %dma_wait3A_95 = tpu.memref_squeeze %dma_wait3A_94 : memref<1x128xi32, #tpu.memory_space<vmem>> -> memref<128xi32, #tpu.memory_space<vmem>>
      %dma_wait3A_96 = arith.constant 0 : i32
      %dma_wait3A_97 = arith.constant 0 : i32
      %dma_wait3A_98 = tpu.memref_slice %arg2[%dma_wait3A_96, %dma_wait3A_97] : memref<10000x128xf32, #tpu.memory_space<hbm>> -> memref<10000x128xf32, #tpu.memory_space<hbm>>
      tpu.wait_indirect_dma semaphore(%arg14 : memref<!tpu.dma_semaphore, #tpu.memory_space<semaphore_mem>>) src(%dma_wait3A_98 : memref<10000x128xf32, #tpu.memory_space<hbm>>) dst(%arg10 : memref<128x128xf32, #tpu.memory_space<vmem>>)
      "tpu.region"() ({
        %run_scoped3A = tpu.sem_alloc : memref<!tpu.dma_semaphore, #tpu.memory_space<semaphore_mem>>
        %dma_start3A_100 = arith.constant 0 : i32
        %dma_start3A_101 = tpu.memref_slice %arg9[%while3A_87, %dma_start3A_100] : memref<94x128xi32, #tpu.memory_space<vmem>> -> memref<1x128xi32, #tpu.memory_space<vmem>>
        %dma_start3A_102 = tpu.memref_squeeze %dma_start3A_101 : memref<1x128xi32, #tpu.memory_space<vmem>> -> memref<128xi32, #tpu.memory_space<vmem>>
        %dma_start3A_103 = arith.constant 0 : i32
        %dma_start3A_104 = arith.constant 0 : i32
        %dma_start3A_105 = tpu.memref_slice %arg12[%dma_start3A_103, %dma_start3A_104] : memref<10240x128xf32, #tpu.memory_space<vmem_shared>> -> memref<10240x128xf32, #tpu.memory_space<vmem_shared>>
        tpu.enqueue_indirect_dma source(%arg10 : memref<128x128xf32, #tpu.memory_space<vmem>>) target(%dma_start3A_105 : memref<10240x128xf32, #tpu.memory_space<vmem_shared>>) offsets(%dma_start3A_102 : memref<128xi32, #tpu.memory_space<vmem>>) semaphore(%run_scoped3A : memref<!tpu.dma_semaphore, #tpu.memory_space<semaphore_mem>>) {add = true}
        %dma_wait3A_106 = arith.constant 0 : i32
        %dma_wait3A_107 = tpu.memref_slice %arg9[%while3A_87, %dma_wait3A_106] : memref<94x128xi32, #tpu.memory_space<vmem>> -> memref<1x128xi32, #tpu.memory_space<vmem>>
        %dma_wait3A_108 = tpu.memref_squeeze %dma_wait3A_107 : memref<1x128xi32, #tpu.memory_space<vmem>> -> memref<128xi32, #tpu.memory_space<vmem>>
        %dma_wait3A_109 = arith.constant 0 : i32
        %dma_wait3A_110 = arith.constant 0 : i32
        %dma_wait3A_111 = tpu.memref_slice %arg12[%dma_wait3A_109, %dma_wait3A_110] : memref<10240x128xf32, #tpu.memory_space<vmem_shared>> -> memref<10240x128xf32, #tpu.memory_space<vmem_shared>>
        tpu.wait_indirect_dma semaphore(%run_scoped3A : memref<!tpu.dma_semaphore, #tpu.memory_space<semaphore_mem>>) src(%arg10 : memref<128x128xf32, #tpu.memory_space<vmem>>) dst(%dma_wait3A_111 : memref<10240x128xf32, #tpu.memory_space<vmem_shared>>)
        tpu.yield
      }) : () -> ()
      %while3A_99 = arith.constant 0 : i32
      scf.yield %while3A_99 : i32
    }
    %barrier3A_86 = arith.constant 0 : index
    tpu.barrier barrier_id(%barrier3A_86)
    "tpu.region"() ({
      %run_scoped3A = tpu.sem_alloc : memref<!tpu.dma_semaphore, #tpu.memory_space<semaphore_mem>>
      %dma_start3A = arith.constant 0 : i32
      %dma_start3A_87 = tpu.memref_slice %arg7[%arg0, %mul3A_2, %dma_start3A] : memref<2x10240x128xf32, #tpu.memory_space<hbm>> -> memref<1x640x128xf32, #tpu.memory_space<hbm>>
      %dma_start3A_88 = tpu.memref_squeeze %dma_start3A_87 : memref<1x640x128xf32, #tpu.memory_space<hbm>> -> memref<640x128xf32, #tpu.memory_space<hbm>>
      %dma_start3A_89 = arith.constant 0 : i32
      %dma_start3A_90 = tpu.memref_slice %arg12[%mul3A_2, %dma_start3A_89] : memref<10240x128xf32, #tpu.memory_space<vmem_shared>> -> memref<640x128xf32, #tpu.memory_space<vmem_shared>>
      tpu.enqueue_dma source(%dma_start3A_90 : memref<640x128xf32, #tpu.memory_space<vmem_shared>>) target(%dma_start3A_88 : memref<640x128xf32, #tpu.memory_space<hbm>>) target_semaphore(%run_scoped3A : memref<!tpu.dma_semaphore, #tpu.memory_space<semaphore_mem>>)
      %dma_wait3A = arith.constant 0 : i32
      %dma_wait3A_91 = tpu.memref_slice %arg7[%arg0, %mul3A_2, %dma_wait3A] : memref<2x10240x128xf32, #tpu.memory_space<hbm>> -> memref<1x640x128xf32, #tpu.memory_space<hbm>>
      %dma_wait3A_92 = tpu.memref_squeeze %dma_wait3A_91 : memref<1x640x128xf32, #tpu.memory_space<hbm>> -> memref<640x128xf32, #tpu.memory_space<hbm>>
      %dma_wait3A_93 = arith.constant 0 : i32
      %dma_wait3A_94 = tpu.memref_slice %arg12[%mul3A_2, %dma_wait3A_93] : memref<10240x128xf32, #tpu.memory_space<vmem_shared>> -> memref<640x128xf32, #tpu.memory_space<vmem_shared>>
      tpu.wait_dma2 semaphore(%run_scoped3A : memref<!tpu.dma_semaphore, #tpu.memory_space<semaphore_mem>>) src(%dma_wait3A_94 : memref<640x128xf32, #tpu.memory_space<vmem_shared>>) dst(%dma_wait3A_92 : memref<640x128xf32, #tpu.memory_space<hbm>>)
      tpu.yield
    }) : () -> ()
    return
  }
}

#map = affine_map<(d0, d1) -> (0, 0)>
#map1 = affine_map<(d0, d1) -> (0, 0, 0)>
module attributes {stable_mosaic.version = 14 : i64} {
  func.func @sc_agg(%arg0: i32, %arg1: i32, %arg2: memref<10000x128xf32, #tpu.memory_space<hbm>>, %arg3: memref<16x94x128xi32, #tpu.memory_space<hbm>>, %arg4: memref<16x63x128xi32, #tpu.memory_space<hbm>>, %arg5: memref<16x94x128xi32, #tpu.memory_space<hbm>>, %arg6: memref<16x63x128xi32, #tpu.memory_space<hbm>>, %arg7: memref<2x10240x128xf32, #tpu.memory_space<hbm>>, %arg8: memref<2x10240xf32, #tpu.memory_space<hbm>>, %arg9: memref<94x128xi32, #tpu.memory_space<vmem>>, %arg10: memref<94x128xi32, #tpu.memory_space<vmem>>, %arg11: memref<128x128xf32, #tpu.memory_space<vmem>>, %arg12: memref<128xf32, #tpu.memory_space<vmem>>, %arg13: memref<10240x128xf32, #tpu.memory_space<vmem_shared>>, %arg14: memref<10240xf32, #tpu.memory_space<vmem_shared>>, %arg15: memref<!tpu.dma_semaphore, #tpu.memory_space<semaphore_mem>>) attributes {dimension_semantics = [#tpu.dimension_semantics<core_parallel>, #tpu.dimension_semantics<subcore_parallel>], iteration_bounds = array<i64: 2, 16>, scalar_prefetch = 0 : i64, scratch_operands = 7 : i64, tpu.core_type = #tpu.core_type<sc_vector_subcore>, window_params = [{transform_indices = #map}, {transform_indices = #map1}, {transform_indices = #map1}, {transform_indices = #map1}, {transform_indices = #map1}, {transform_indices = #map1}, {transform_indices = #map}]} {
    %mul3A = arith.constant 2 : i32
    %mul3A_0 = arith.muli %arg1, %mul3A : i32
    %add3A = arith.addi %mul3A_0, %arg0 : i32
    %mul3A_1 = arith.constant 640 : i32
    %mul3A_2 = arith.muli %arg1, %mul3A_1 : i32
    %scan3A = arith.constant 0 : i32
    %scan3A_3 = arith.constant 0 : i32
    %scan3A_4 = arith.constant 1024 : i32
    %scan3A_5 = arith.addi %scan3A_3, %scan3A_4 : i32
    %scan3A_6 = arith.constant 1 : i32
    %scan3A_7 = scf.for %scan3A_101 = %scan3A_3 to %scan3A_5 step %scan3A_6 iter_args(%scan3A_102 = %scan3A) -> (i32)  : i32 {
      %broadcast_in_dim3A_103 = arith.constant 0.000000e+00 : f32
      %broadcast_in_dim3A_104 = vector.broadcast %broadcast_in_dim3A_103 : f32 to vector<16xf32>
      %jit3A_105 = arith.constant 8 : i32
      %div3A = arith.divsi %scan3A_101, %jit3A_105 : i32
      %sign3A = arith.constant 0 : i32
      %sign3A_106 = arith.cmpi sgt, %scan3A_101, %sign3A : i32
      %sign3A_107 = arith.extui %sign3A_106 : i1 to i32
      %sign3A_108 = arith.constant 0 : i32
      %sign3A_109 = arith.cmpi slt, %scan3A_101, %sign3A_108 : i32
      %sign3A_110 = arith.extui %sign3A_109 : i1 to i32
      %sign3A_111 = arith.subi %sign3A_107, %sign3A_110 : i32
      %sign3A_112 = arith.constant 0 : i32
      %sign3A_113 = arith.cmpi sgt, %jit3A_105, %sign3A_112 : i32
      %sign3A_114 = arith.extui %sign3A_113 : i1 to i32
      %sign3A_115 = arith.constant 0 : i32
      %sign3A_116 = arith.cmpi slt, %jit3A_105, %sign3A_115 : i32
      %sign3A_117 = arith.extui %sign3A_116 : i1 to i32
      %sign3A_118 = arith.subi %sign3A_114, %sign3A_117 : i32
      %ne3A = arith.cmpi ne, %sign3A_111, %sign3A_118 : i32
      %rem3A = arith.remsi %scan3A_101, %jit3A_105 : i32
      %ne3A_119 = arith.constant 0 : i32
      %ne3A_120 = arith.cmpi ne, %rem3A, %ne3A_119 : i32
      %and3A = arith.andi %ne3A, %ne3A_120 : i1
      %sub3A = arith.constant 1 : i32
      %sub3A_121 = arith.subi %div3A, %sub3A : i32
      %select_n3A_122 = arith.select %and3A, %sub3A_121, %div3A : i32
      %jit3A_123 = arith.constant 8 : i32
      %eq3A_124 = arith.constant 0 : i32
      %eq3A_125 = arith.cmpi eq, %jit3A_123, %eq3A_124 : i32
      %jit3A_126 = arith.constant 1 : i32
      %select_n3A_127 = arith.select %eq3A_125, %jit3A_126, %jit3A_123 : i32
      %rem3A_128 = arith.remsi %scan3A_101, %select_n3A_127 : i32
      %ne3A_129 = arith.constant 0 : i32
      %ne3A_130 = arith.cmpi ne, %rem3A_128, %ne3A_129 : i32
      %lt3A = arith.constant 0 : i32
      %lt3A_131 = arith.cmpi slt, %rem3A_128, %lt3A : i32
      %lt3A_132 = arith.constant 0 : i32
      %lt3A_133 = arith.cmpi slt, %select_n3A_127, %lt3A_132 : i32
      %ne3A_134 = arith.xori %lt3A_131, %lt3A_133 : i1
      %and3A_135 = arith.andi %ne3A_134, %ne3A_130 : i1
      %add3A_136 = arith.addi %rem3A_128, %select_n3A_127 : i32
      %select_n3A_137 = arith.select %and3A_135, %add3A_136, %rem3A_128 : i32
      %mul3A_138 = arith.constant 16 : i32
      %mul3A_139 = arith.muli %select_n3A_137, %mul3A_138 : i32
      %swap3A_140 = arith.index_cast %select_n3A_122 : i32 to index
      %swap3A_141 = arith.index_cast %mul3A_139 : i32 to index
      %swap3A_142 = tpu.vector_load %arg11[%swap3A_140, %swap3A_141] {strides = array<i32>} : memref<128x128xf32, #tpu.memory_space<vmem>>, vector<1x16xf32>,
      %swap3A_143 = vector.shape_cast %swap3A_142 : vector<1x16xf32> to vector<16xf32>
      %swap3A_144 = vector.shape_cast %broadcast_in_dim3A_104 : vector<16xf32> to vector<1x16xf32>
      tpu.vector_store %arg11[%swap3A_140, %swap3A_141], %swap3A_144 {strides = array<i32>} : memref<128x128xf32, #tpu.memory_space<vmem>>, vector<1x16xf32>,
      %scan3A_145 = arith.constant 0 : i32
      scf.yield %scan3A_145 : i32
    }
    %scan3A_8 = arith.constant 1024 : i32
    %broadcast_in_dim3A = arith.constant 1.000000e+00 : f32
    %broadcast_in_dim3A_9 = vector.broadcast %broadcast_in_dim3A : f32 to vector<16xf32>
    %swap3A = arith.constant 0 : index
    %swap3A_10 = tpu.vector_load %arg12[%swap3A] {strides = array<i32>} : memref<128xf32, #tpu.memory_space<vmem>>, vector<16xf32>,
    %swap3A_11 = vector.shape_cast %swap3A_10 : vector<16xf32> to vector<16xf32>
    %swap3A_12 = vector.shape_cast %broadcast_in_dim3A_9 : vector<16xf32> to vector<16xf32>
    tpu.vector_store %arg12[%swap3A], %swap3A_12 {strides = array<i32>} : memref<128xf32, #tpu.memory_space<vmem>>, vector<16xf32>,
    %broadcast_in_dim3A_13 = arith.constant 1.000000e+00 : f32
    %broadcast_in_dim3A_14 = vector.broadcast %broadcast_in_dim3A_13 : f32 to vector<16xf32>
    %swap3A_15 = arith.constant 16 : index
    %swap3A_16 = tpu.vector_load %arg12[%swap3A_15] {strides = array<i32>} : memref<128xf32, #tpu.memory_space<vmem>>, vector<16xf32>,
    %swap3A_17 = vector.shape_cast %swap3A_16 : vector<16xf32> to vector<16xf32>
    %swap3A_18 = vector.shape_cast %broadcast_in_dim3A_14 : vector<16xf32> to vector<16xf32>
    tpu.vector_store %arg12[%swap3A_15], %swap3A_18 {strides = array<i32>} : memref<128xf32, #tpu.memory_space<vmem>>, vector<16xf32>,
    %broadcast_in_dim3A_19 = arith.constant 1.000000e+00 : f32
    %broadcast_in_dim3A_20 = vector.broadcast %broadcast_in_dim3A_19 : f32 to vector<16xf32>
    %swap3A_21 = arith.constant 32 : index
    %swap3A_22 = tpu.vector_load %arg12[%swap3A_21] {strides = array<i32>} : memref<128xf32, #tpu.memory_space<vmem>>, vector<16xf32>,
    %swap3A_23 = vector.shape_cast %swap3A_22 : vector<16xf32> to vector<16xf32>
    %swap3A_24 = vector.shape_cast %broadcast_in_dim3A_20 : vector<16xf32> to vector<16xf32>
    tpu.vector_store %arg12[%swap3A_21], %swap3A_24 {strides = array<i32>} : memref<128xf32, #tpu.memory_space<vmem>>, vector<16xf32>,
    %broadcast_in_dim3A_25 = arith.constant 1.000000e+00 : f32
    %broadcast_in_dim3A_26 = vector.broadcast %broadcast_in_dim3A_25 : f32 to vector<16xf32>
    %swap3A_27 = arith.constant 48 : index
    %swap3A_28 = tpu.vector_load %arg12[%swap3A_27] {strides = array<i32>} : memref<128xf32, #tpu.memory_space<vmem>>, vector<16xf32>,
    %swap3A_29 = vector.shape_cast %swap3A_28 : vector<16xf32> to vector<16xf32>
    %swap3A_30 = vector.shape_cast %broadcast_in_dim3A_26 : vector<16xf32> to vector<16xf32>
    tpu.vector_store %arg12[%swap3A_27], %swap3A_30 {strides = array<i32>} : memref<128xf32, #tpu.memory_space<vmem>>, vector<16xf32>,
    %broadcast_in_dim3A_31 = arith.constant 1.000000e+00 : f32
    %broadcast_in_dim3A_32 = vector.broadcast %broadcast_in_dim3A_31 : f32 to vector<16xf32>
    %swap3A_33 = arith.constant 64 : index
    %swap3A_34 = tpu.vector_load %arg12[%swap3A_33] {strides = array<i32>} : memref<128xf32, #tpu.memory_space<vmem>>, vector<16xf32>,
    %swap3A_35 = vector.shape_cast %swap3A_34 : vector<16xf32> to vector<16xf32>
    %swap3A_36 = vector.shape_cast %broadcast_in_dim3A_32 : vector<16xf32> to vector<16xf32>
    tpu.vector_store %arg12[%swap3A_33], %swap3A_36 {strides = array<i32>} : memref<128xf32, #tpu.memory_space<vmem>>, vector<16xf32>,
    %broadcast_in_dim3A_37 = arith.constant 1.000000e+00 : f32
    %broadcast_in_dim3A_38 = vector.broadcast %broadcast_in_dim3A_37 : f32 to vector<16xf32>
    %swap3A_39 = arith.constant 80 : index
    %swap3A_40 = tpu.vector_load %arg12[%swap3A_39] {strides = array<i32>} : memref<128xf32, #tpu.memory_space<vmem>>, vector<16xf32>,
    %swap3A_41 = vector.shape_cast %swap3A_40 : vector<16xf32> to vector<16xf32>
    %swap3A_42 = vector.shape_cast %broadcast_in_dim3A_38 : vector<16xf32> to vector<16xf32>
    tpu.vector_store %arg12[%swap3A_39], %swap3A_42 {strides = array<i32>} : memref<128xf32, #tpu.memory_space<vmem>>, vector<16xf32>,
    %broadcast_in_dim3A_43 = arith.constant 1.000000e+00 : f32
    %broadcast_in_dim3A_44 = vector.broadcast %broadcast_in_dim3A_43 : f32 to vector<16xf32>
    %swap3A_45 = arith.constant 96 : index
    %swap3A_46 = tpu.vector_load %arg12[%swap3A_45] {strides = array<i32>} : memref<128xf32, #tpu.memory_space<vmem>>, vector<16xf32>,
    %swap3A_47 = vector.shape_cast %swap3A_46 : vector<16xf32> to vector<16xf32>
    %swap3A_48 = vector.shape_cast %broadcast_in_dim3A_44 : vector<16xf32> to vector<16xf32>
    tpu.vector_store %arg12[%swap3A_45], %swap3A_48 {strides = array<i32>} : memref<128xf32, #tpu.memory_space<vmem>>, vector<16xf32>,
    %broadcast_in_dim3A_49 = arith.constant 1.000000e+00 : f32
    %broadcast_in_dim3A_50 = vector.broadcast %broadcast_in_dim3A_49 : f32 to vector<16xf32>
    %swap3A_51 = arith.constant 112 : index
    %swap3A_52 = tpu.vector_load %arg12[%swap3A_51] {strides = array<i32>} : memref<128xf32, #tpu.memory_space<vmem>>, vector<16xf32>,
    %swap3A_53 = vector.shape_cast %swap3A_52 : vector<16xf32> to vector<16xf32>
    %swap3A_54 = vector.shape_cast %broadcast_in_dim3A_50 : vector<16xf32> to vector<16xf32>
    tpu.vector_store %arg12[%swap3A_51], %swap3A_54 {strides = array<i32>} : memref<128xf32, #tpu.memory_space<vmem>>, vector<16xf32>,
    %add3A_55 = arith.constant 0 : i32
    %add3A_56 = arith.addi %mul3A_2, %add3A_55 : i32
    "tpu.region"() ({
      %run_scoped3A_101 = tpu.sem_alloc : memref<!tpu.dma_semaphore, #tpu.memory_space<semaphore_mem>>
      %dma_start3A = arith.constant 0 : i32
      %dma_start3A_102 = tpu.memref_slice %arg13[%add3A_56, %dma_start3A] : memref<10240x128xf32, #tpu.memory_space<vmem_shared>> -> memref<128x128xf32, #tpu.memory_space<vmem_shared>>
      %dma_start3A_103 = arith.constant 0 : i32
      %dma_start3A_104 = tpu.memref_slice %arg13[%add3A_56, %dma_start3A_103] : memref<10240x128xf32, #tpu.memory_space<vmem_shared>> -> memref<128x128xf32, #tpu.memory_space<vmem_shared>>
      tpu.enqueue_dma source(%arg11 : memref<128x128xf32, #tpu.memory_space<vmem>>) target(%dma_start3A_104 : memref<128x128xf32, #tpu.memory_space<vmem_shared>>) target_semaphore(%run_scoped3A_101 : memref<!tpu.dma_semaphore, #tpu.memory_space<semaphore_mem>>)
      %dma_wait3A = arith.constant 0 : i32
      %dma_wait3A_105 = tpu.memref_slice %arg13[%add3A_56, %dma_wait3A] : memref<10240x128xf32, #tpu.memory_space<vmem_shared>> -> memref<128x128xf32, #tpu.memory_space<vmem_shared>>
      %dma_wait3A_106 = arith.constant 0 : i32
      %dma_wait3A_107 = tpu.memref_slice %arg13[%add3A_56, %dma_wait3A_106] : memref<10240x128xf32, #tpu.memory_space<vmem_shared>> -> memref<128x128xf32, #tpu.memory_space<vmem_shared>>
      tpu.wait_dma2 semaphore(%run_scoped3A_101 : memref<!tpu.dma_semaphore, #tpu.memory_space<semaphore_mem>>) src(%arg11 : memref<128x128xf32, #tpu.memory_space<vmem>>) dst(%dma_wait3A_107 : memref<128x128xf32, #tpu.memory_space<vmem_shared>>)
      tpu.yield
    }) : () -> ()
    %add3A_57 = arith.constant 128 : i32
    %add3A_58 = arith.addi %mul3A_2, %add3A_57 : i32
    "tpu.region"() ({
      %run_scoped3A_101 = tpu.sem_alloc : memref<!tpu.dma_semaphore, #tpu.memory_space<semaphore_mem>>
      %dma_start3A = arith.constant 0 : i32
      %dma_start3A_102 = tpu.memref_slice %arg13[%add3A_58, %dma_start3A] : memref<10240x128xf32, #tpu.memory_space<vmem_shared>> -> memref<128x128xf32, #tpu.memory_space<vmem_shared>>
      %dma_start3A_103 = arith.constant 0 : i32
      %dma_start3A_104 = tpu.memref_slice %arg13[%add3A_58, %dma_start3A_103] : memref<10240x128xf32, #tpu.memory_space<vmem_shared>> -> memref<128x128xf32, #tpu.memory_space<vmem_shared>>
      tpu.enqueue_dma source(%arg11 : memref<128x128xf32, #tpu.memory_space<vmem>>) target(%dma_start3A_104 : memref<128x128xf32, #tpu.memory_space<vmem_shared>>) target_semaphore(%run_scoped3A_101 : memref<!tpu.dma_semaphore, #tpu.memory_space<semaphore_mem>>)
      %dma_wait3A = arith.constant 0 : i32
      %dma_wait3A_105 = tpu.memref_slice %arg13[%add3A_58, %dma_wait3A] : memref<10240x128xf32, #tpu.memory_space<vmem_shared>> -> memref<128x128xf32, #tpu.memory_space<vmem_shared>>
      %dma_wait3A_106 = arith.constant 0 : i32
      %dma_wait3A_107 = tpu.memref_slice %arg13[%add3A_58, %dma_wait3A_106] : memref<10240x128xf32, #tpu.memory_space<vmem_shared>> -> memref<128x128xf32, #tpu.memory_space<vmem_shared>>
      tpu.wait_dma2 semaphore(%run_scoped3A_101 : memref<!tpu.dma_semaphore, #tpu.memory_space<semaphore_mem>>) src(%arg11 : memref<128x128xf32, #tpu.memory_space<vmem>>) dst(%dma_wait3A_107 : memref<128x128xf32, #tpu.memory_space<vmem_shared>>)
      tpu.yield
    }) : () -> ()
    %add3A_59 = arith.constant 256 : i32
    %add3A_60 = arith.addi %mul3A_2, %add3A_59 : i32
    "tpu.region"() ({
      %run_scoped3A_101 = tpu.sem_alloc : memref<!tpu.dma_semaphore, #tpu.memory_space<semaphore_mem>>
      %dma_start3A = arith.constant 0 : i32
      %dma_start3A_102 = tpu.memref_slice %arg13[%add3A_60, %dma_start3A] : memref<10240x128xf32, #tpu.memory_space<vmem_shared>> -> memref<128x128xf32, #tpu.memory_space<vmem_shared>>
      %dma_start3A_103 = arith.constant 0 : i32
      %dma_start3A_104 = tpu.memref_slice %arg13[%add3A_60, %dma_start3A_103] : memref<10240x128xf32, #tpu.memory_space<vmem_shared>> -> memref<128x128xf32, #tpu.memory_space<vmem_shared>>
      tpu.enqueue_dma source(%arg11 : memref<128x128xf32, #tpu.memory_space<vmem>>) target(%dma_start3A_104 : memref<128x128xf32, #tpu.memory_space<vmem_shared>>) target_semaphore(%run_scoped3A_101 : memref<!tpu.dma_semaphore, #tpu.memory_space<semaphore_mem>>)
      %dma_wait3A = arith.constant 0 : i32
      %dma_wait3A_105 = tpu.memref_slice %arg13[%add3A_60, %dma_wait3A] : memref<10240x128xf32, #tpu.memory_space<vmem_shared>> -> memref<128x128xf32, #tpu.memory_space<vmem_shared>>
      %dma_wait3A_106 = arith.constant 0 : i32
      %dma_wait3A_107 = tpu.memref_slice %arg13[%add3A_60, %dma_wait3A_106] : memref<10240x128xf32, #tpu.memory_space<vmem_shared>> -> memref<128x128xf32, #tpu.memory_space<vmem_shared>>
      tpu.wait_dma2 semaphore(%run_scoped3A_101 : memref<!tpu.dma_semaphore, #tpu.memory_space<semaphore_mem>>) src(%arg11 : memref<128x128xf32, #tpu.memory_space<vmem>>) dst(%dma_wait3A_107 : memref<128x128xf32, #tpu.memory_space<vmem_shared>>)
      tpu.yield
    }) : () -> ()
    %add3A_61 = arith.constant 384 : i32
    %add3A_62 = arith.addi %mul3A_2, %add3A_61 : i32
    "tpu.region"() ({
      %run_scoped3A_101 = tpu.sem_alloc : memref<!tpu.dma_semaphore, #tpu.memory_space<semaphore_mem>>
      %dma_start3A = arith.constant 0 : i32
      %dma_start3A_102 = tpu.memref_slice %arg13[%add3A_62, %dma_start3A] : memref<10240x128xf32, #tpu.memory_space<vmem_shared>> -> memref<128x128xf32, #tpu.memory_space<vmem_shared>>
      %dma_start3A_103 = arith.constant 0 : i32
      %dma_start3A_104 = tpu.memref_slice %arg13[%add3A_62, %dma_start3A_103] : memref<10240x128xf32, #tpu.memory_space<vmem_shared>> -> memref<128x128xf32, #tpu.memory_space<vmem_shared>>
      tpu.enqueue_dma source(%arg11 : memref<128x128xf32, #tpu.memory_space<vmem>>) target(%dma_start3A_104 : memref<128x128xf32, #tpu.memory_space<vmem_shared>>) target_semaphore(%run_scoped3A_101 : memref<!tpu.dma_semaphore, #tpu.memory_space<semaphore_mem>>)
      %dma_wait3A = arith.constant 0 : i32
      %dma_wait3A_105 = tpu.memref_slice %arg13[%add3A_62, %dma_wait3A] : memref<10240x128xf32, #tpu.memory_space<vmem_shared>> -> memref<128x128xf32, #tpu.memory_space<vmem_shared>>
      %dma_wait3A_106 = arith.constant 0 : i32
      %dma_wait3A_107 = tpu.memref_slice %arg13[%add3A_62, %dma_wait3A_106] : memref<10240x128xf32, #tpu.memory_space<vmem_shared>> -> memref<128x128xf32, #tpu.memory_space<vmem_shared>>
      tpu.wait_dma2 semaphore(%run_scoped3A_101 : memref<!tpu.dma_semaphore, #tpu.memory_space<semaphore_mem>>) src(%arg11 : memref<128x128xf32, #tpu.memory_space<vmem>>) dst(%dma_wait3A_107 : memref<128x128xf32, #tpu.memory_space<vmem_shared>>)
      tpu.yield
    }) : () -> ()
    %add3A_63 = arith.constant 512 : i32
    %add3A_64 = arith.addi %mul3A_2, %add3A_63 : i32
    "tpu.region"() ({
      %run_scoped3A_101 = tpu.sem_alloc : memref<!tpu.dma_semaphore, #tpu.memory_space<semaphore_mem>>
      %dma_start3A = arith.constant 0 : i32
      %dma_start3A_102 = tpu.memref_slice %arg13[%add3A_64, %dma_start3A] : memref<10240x128xf32, #tpu.memory_space<vmem_shared>> -> memref<128x128xf32, #tpu.memory_space<vmem_shared>>
      %dma_start3A_103 = arith.constant 0 : i32
      %dma_start3A_104 = tpu.memref_slice %arg13[%add3A_64, %dma_start3A_103] : memref<10240x128xf32, #tpu.memory_space<vmem_shared>> -> memref<128x128xf32, #tpu.memory_space<vmem_shared>>
      tpu.enqueue_dma source(%arg11 : memref<128x128xf32, #tpu.memory_space<vmem>>) target(%dma_start3A_104 : memref<128x128xf32, #tpu.memory_space<vmem_shared>>) target_semaphore(%run_scoped3A_101 : memref<!tpu.dma_semaphore, #tpu.memory_space<semaphore_mem>>)
      %dma_wait3A = arith.constant 0 : i32
      %dma_wait3A_105 = tpu.memref_slice %arg13[%add3A_64, %dma_wait3A] : memref<10240x128xf32, #tpu.memory_space<vmem_shared>> -> memref<128x128xf32, #tpu.memory_space<vmem_shared>>
      %dma_wait3A_106 = arith.constant 0 : i32
      %dma_wait3A_107 = tpu.memref_slice %arg13[%add3A_64, %dma_wait3A_106] : memref<10240x128xf32, #tpu.memory_space<vmem_shared>> -> memref<128x128xf32, #tpu.memory_space<vmem_shared>>
      tpu.wait_dma2 semaphore(%run_scoped3A_101 : memref<!tpu.dma_semaphore, #tpu.memory_space<semaphore_mem>>) src(%arg11 : memref<128x128xf32, #tpu.memory_space<vmem>>) dst(%dma_wait3A_107 : memref<128x128xf32, #tpu.memory_space<vmem_shared>>)
      tpu.yield
    }) : () -> ()
    %add3A_65 = arith.constant 0 : i32
    %add3A_66 = arith.addi %mul3A_2, %add3A_65 : i32
    %run_scoped3A = arith.constant 0 : i32
    "tpu.region"() ({
      %run_scoped3A_101 = tpu.sem_alloc : memref<!tpu.dma_semaphore, #tpu.memory_space<semaphore_mem>>
      %dma_start3A = arith.constant 0 : i32
      %dma_start3A_102 = tpu.memref_slice %arg11[%run_scoped3A, %dma_start3A] : memref<128x128xf32, #tpu.memory_space<vmem>> -> memref<1x128xf32, #tpu.memory_space<vmem>>
      %dma_start3A_103 = tpu.memref_squeeze %dma_start3A_102 : memref<1x128xf32, #tpu.memory_space<vmem>> -> memref<128xf32, #tpu.memory_space<vmem>>
      %dma_start3A_104 = tpu.memref_slice %arg14[%add3A_66] : memref<10240xf32, #tpu.memory_space<vmem_shared>> -> memref<128xf32, #tpu.memory_space<vmem_shared>>
      %dma_start3A_105 = tpu.memref_slice %arg14[%add3A_66] : memref<10240xf32, #tpu.memory_space<vmem_shared>> -> memref<128xf32, #tpu.memory_space<vmem_shared>>
      %dma_start3A_106 = arith.constant 0 : i32
      %dma_start3A_107 = tpu.memref_slice %arg11[%run_scoped3A, %dma_start3A_106] : memref<128x128xf32, #tpu.memory_space<vmem>> -> memref<1x128xf32, #tpu.memory_space<vmem>>
      %dma_start3A_108 = tpu.memref_squeeze %dma_start3A_107 : memref<1x128xf32, #tpu.memory_space<vmem>> -> memref<128xf32, #tpu.memory_space<vmem>>
      tpu.enqueue_dma source(%dma_start3A_108 : memref<128xf32, #tpu.memory_space<vmem>>) target(%dma_start3A_105 : memref<128xf32, #tpu.memory_space<vmem_shared>>) target_semaphore(%run_scoped3A_101 : memref<!tpu.dma_semaphore, #tpu.memory_space<semaphore_mem>>)
      %dma_wait3A = arith.constant 0 : i32
      %dma_wait3A_109 = tpu.memref_slice %arg11[%run_scoped3A, %dma_wait3A] : memref<128x128xf32, #tpu.memory_space<vmem>> -> memref<1x128xf32, #tpu.memory_space<vmem>>
      %dma_wait3A_110 = tpu.memref_squeeze %dma_wait3A_109 : memref<1x128xf32, #tpu.memory_space<vmem>> -> memref<128xf32, #tpu.memory_space<vmem>>
      %dma_wait3A_111 = tpu.memref_slice %arg14[%add3A_66] : memref<10240xf32, #tpu.memory_space<vmem_shared>> -> memref<128xf32, #tpu.memory_space<vmem_shared>>
      %dma_wait3A_112 = tpu.memref_slice %arg14[%add3A_66] : memref<10240xf32, #tpu.memory_space<vmem_shared>> -> memref<128xf32, #tpu.memory_space<vmem_shared>>
      %dma_wait3A_113 = arith.constant 0 : i32
      %dma_wait3A_114 = tpu.memref_slice %arg11[%run_scoped3A, %dma_wait3A_113] : memref<128x128xf32, #tpu.memory_space<vmem>> -> memref<1x128xf32, #tpu.memory_space<vmem>>
      %dma_wait3A_115 = tpu.memref_squeeze %dma_wait3A_114 : memref<1x128xf32, #tpu.memory_space<vmem>> -> memref<128xf32, #tpu.memory_space<vmem>>
      tpu.wait_dma2 semaphore(%run_scoped3A_101 : memref<!tpu.dma_semaphore, #tpu.memory_space<semaphore_mem>>) src(%dma_wait3A_115 : memref<128xf32, #tpu.memory_space<vmem>>) dst(%dma_wait3A_112 : memref<128xf32, #tpu.memory_space<vmem_shared>>)
      tpu.yield
    }) : () -> ()
    %add3A_67 = arith.constant 128 : i32
    %add3A_68 = arith.addi %mul3A_2, %add3A_67 : i32
    %run_scoped3A_69 = arith.constant 0 : i32
    "tpu.region"() ({
      %run_scoped3A_101 = tpu.sem_alloc : memref<!tpu.dma_semaphore, #tpu.memory_space<semaphore_mem>>
      %dma_start3A = arith.constant 0 : i32
      %dma_start3A_102 = tpu.memref_slice %arg11[%run_scoped3A_69, %dma_start3A] : memref<128x128xf32, #tpu.memory_space<vmem>> -> memref<1x128xf32, #tpu.memory_space<vmem>>
      %dma_start3A_103 = tpu.memref_squeeze %dma_start3A_102 : memref<1x128xf32, #tpu.memory_space<vmem>> -> memref<128xf32, #tpu.memory_space<vmem>>
      %dma_start3A_104 = tpu.memref_slice %arg14[%add3A_68] : memref<10240xf32, #tpu.memory_space<vmem_shared>> -> memref<128xf32, #tpu.memory_space<vmem_shared>>
      %dma_start3A_105 = tpu.memref_slice %arg14[%add3A_68] : memref<10240xf32, #tpu.memory_space<vmem_shared>> -> memref<128xf32, #tpu.memory_space<vmem_shared>>
      %dma_start3A_106 = arith.constant 0 : i32
      %dma_start3A_107 = tpu.memref_slice %arg11[%run_scoped3A_69, %dma_start3A_106] : memref<128x128xf32, #tpu.memory_space<vmem>> -> memref<1x128xf32, #tpu.memory_space<vmem>>
      %dma_start3A_108 = tpu.memref_squeeze %dma_start3A_107 : memref<1x128xf32, #tpu.memory_space<vmem>> -> memref<128xf32, #tpu.memory_space<vmem>>
      tpu.enqueue_dma source(%dma_start3A_108 : memref<128xf32, #tpu.memory_space<vmem>>) target(%dma_start3A_105 : memref<128xf32, #tpu.memory_space<vmem_shared>>) target_semaphore(%run_scoped3A_101 : memref<!tpu.dma_semaphore, #tpu.memory_space<semaphore_mem>>)
      %dma_wait3A = arith.constant 0 : i32
      %dma_wait3A_109 = tpu.memref_slice %arg11[%run_scoped3A_69, %dma_wait3A] : memref<128x128xf32, #tpu.memory_space<vmem>> -> memref<1x128xf32, #tpu.memory_space<vmem>>
      %dma_wait3A_110 = tpu.memref_squeeze %dma_wait3A_109 : memref<1x128xf32, #tpu.memory_space<vmem>> -> memref<128xf32, #tpu.memory_space<vmem>>
      %dma_wait3A_111 = tpu.memref_slice %arg14[%add3A_68] : memref<10240xf32, #tpu.memory_space<vmem_shared>> -> memref<128xf32, #tpu.memory_space<vmem_shared>>
      %dma_wait3A_112 = tpu.memref_slice %arg14[%add3A_68] : memref<10240xf32, #tpu.memory_space<vmem_shared>> -> memref<128xf32, #tpu.memory_space<vmem_shared>>
      %dma_wait3A_113 = arith.constant 0 : i32
      %dma_wait3A_114 = tpu.memref_slice %arg11[%run_scoped3A_69, %dma_wait3A_113] : memref<128x128xf32, #tpu.memory_space<vmem>> -> memref<1x128xf32, #tpu.memory_space<vmem>>
      %dma_wait3A_115 = tpu.memref_squeeze %dma_wait3A_114 : memref<1x128xf32, #tpu.memory_space<vmem>> -> memref<128xf32, #tpu.memory_space<vmem>>
      tpu.wait_dma2 semaphore(%run_scoped3A_101 : memref<!tpu.dma_semaphore, #tpu.memory_space<semaphore_mem>>) src(%dma_wait3A_115 : memref<128xf32, #tpu.memory_space<vmem>>) dst(%dma_wait3A_112 : memref<128xf32, #tpu.memory_space<vmem_shared>>)
      tpu.yield
    }) : () -> ()
    %add3A_70 = arith.constant 256 : i32
    %add3A_71 = arith.addi %mul3A_2, %add3A_70 : i32
    %run_scoped3A_72 = arith.constant 0 : i32
    "tpu.region"() ({
      %run_scoped3A_101 = tpu.sem_alloc : memref<!tpu.dma_semaphore, #tpu.memory_space<semaphore_mem>>
      %dma_start3A = arith.constant 0 : i32
      %dma_start3A_102 = tpu.memref_slice %arg11[%run_scoped3A_72, %dma_start3A] : memref<128x128xf32, #tpu.memory_space<vmem>> -> memref<1x128xf32, #tpu.memory_space<vmem>>
      %dma_start3A_103 = tpu.memref_squeeze %dma_start3A_102 : memref<1x128xf32, #tpu.memory_space<vmem>> -> memref<128xf32, #tpu.memory_space<vmem>>
      %dma_start3A_104 = tpu.memref_slice %arg14[%add3A_71] : memref<10240xf32, #tpu.memory_space<vmem_shared>> -> memref<128xf32, #tpu.memory_space<vmem_shared>>
      %dma_start3A_105 = tpu.memref_slice %arg14[%add3A_71] : memref<10240xf32, #tpu.memory_space<vmem_shared>> -> memref<128xf32, #tpu.memory_space<vmem_shared>>
      %dma_start3A_106 = arith.constant 0 : i32
      %dma_start3A_107 = tpu.memref_slice %arg11[%run_scoped3A_72, %dma_start3A_106] : memref<128x128xf32, #tpu.memory_space<vmem>> -> memref<1x128xf32, #tpu.memory_space<vmem>>
      %dma_start3A_108 = tpu.memref_squeeze %dma_start3A_107 : memref<1x128xf32, #tpu.memory_space<vmem>> -> memref<128xf32, #tpu.memory_space<vmem>>
      tpu.enqueue_dma source(%dma_start3A_108 : memref<128xf32, #tpu.memory_space<vmem>>) target(%dma_start3A_105 : memref<128xf32, #tpu.memory_space<vmem_shared>>) target_semaphore(%run_scoped3A_101 : memref<!tpu.dma_semaphore, #tpu.memory_space<semaphore_mem>>)
      %dma_wait3A = arith.constant 0 : i32
      %dma_wait3A_109 = tpu.memref_slice %arg11[%run_scoped3A_72, %dma_wait3A] : memref<128x128xf32, #tpu.memory_space<vmem>> -> memref<1x128xf32, #tpu.memory_space<vmem>>
      %dma_wait3A_110 = tpu.memref_squeeze %dma_wait3A_109 : memref<1x128xf32, #tpu.memory_space<vmem>> -> memref<128xf32, #tpu.memory_space<vmem>>
      %dma_wait3A_111 = tpu.memref_slice %arg14[%add3A_71] : memref<10240xf32, #tpu.memory_space<vmem_shared>> -> memref<128xf32, #tpu.memory_space<vmem_shared>>
      %dma_wait3A_112 = tpu.memref_slice %arg14[%add3A_71] : memref<10240xf32, #tpu.memory_space<vmem_shared>> -> memref<128xf32, #tpu.memory_space<vmem_shared>>
      %dma_wait3A_113 = arith.constant 0 : i32
      %dma_wait3A_114 = tpu.memref_slice %arg11[%run_scoped3A_72, %dma_wait3A_113] : memref<128x128xf32, #tpu.memory_space<vmem>> -> memref<1x128xf32, #tpu.memory_space<vmem>>
      %dma_wait3A_115 = tpu.memref_squeeze %dma_wait3A_114 : memref<1x128xf32, #tpu.memory_space<vmem>> -> memref<128xf32, #tpu.memory_space<vmem>>
      tpu.wait_dma2 semaphore(%run_scoped3A_101 : memref<!tpu.dma_semaphore, #tpu.memory_space<semaphore_mem>>) src(%dma_wait3A_115 : memref<128xf32, #tpu.memory_space<vmem>>) dst(%dma_wait3A_112 : memref<128xf32, #tpu.memory_space<vmem_shared>>)
      tpu.yield
    }) : () -> ()
    %add3A_73 = arith.constant 384 : i32
    %add3A_74 = arith.addi %mul3A_2, %add3A_73 : i32
    %run_scoped3A_75 = arith.constant 0 : i32
    "tpu.region"() ({
      %run_scoped3A_101 = tpu.sem_alloc : memref<!tpu.dma_semaphore, #tpu.memory_space<semaphore_mem>>
      %dma_start3A = arith.constant 0 : i32
      %dma_start3A_102 = tpu.memref_slice %arg11[%run_scoped3A_75, %dma_start3A] : memref<128x128xf32, #tpu.memory_space<vmem>> -> memref<1x128xf32, #tpu.memory_space<vmem>>
      %dma_start3A_103 = tpu.memref_squeeze %dma_start3A_102 : memref<1x128xf32, #tpu.memory_space<vmem>> -> memref<128xf32, #tpu.memory_space<vmem>>
      %dma_start3A_104 = tpu.memref_slice %arg14[%add3A_74] : memref<10240xf32, #tpu.memory_space<vmem_shared>> -> memref<128xf32, #tpu.memory_space<vmem_shared>>
      %dma_start3A_105 = tpu.memref_slice %arg14[%add3A_74] : memref<10240xf32, #tpu.memory_space<vmem_shared>> -> memref<128xf32, #tpu.memory_space<vmem_shared>>
      %dma_start3A_106 = arith.constant 0 : i32
      %dma_start3A_107 = tpu.memref_slice %arg11[%run_scoped3A_75, %dma_start3A_106] : memref<128x128xf32, #tpu.memory_space<vmem>> -> memref<1x128xf32, #tpu.memory_space<vmem>>
      %dma_start3A_108 = tpu.memref_squeeze %dma_start3A_107 : memref<1x128xf32, #tpu.memory_space<vmem>> -> memref<128xf32, #tpu.memory_space<vmem>>
      tpu.enqueue_dma source(%dma_start3A_108 : memref<128xf32, #tpu.memory_space<vmem>>) target(%dma_start3A_105 : memref<128xf32, #tpu.memory_space<vmem_shared>>) target_semaphore(%run_scoped3A_101 : memref<!tpu.dma_semaphore, #tpu.memory_space<semaphore_mem>>)
      %dma_wait3A = arith.constant 0 : i32
      %dma_wait3A_109 = tpu.memref_slice %arg11[%run_scoped3A_75, %dma_wait3A] : memref<128x128xf32, #tpu.memory_space<vmem>> -> memref<1x128xf32, #tpu.memory_space<vmem>>
      %dma_wait3A_110 = tpu.memref_squeeze %dma_wait3A_109 : memref<1x128xf32, #tpu.memory_space<vmem>> -> memref<128xf32, #tpu.memory_space<vmem>>
      %dma_wait3A_111 = tpu.memref_slice %arg14[%add3A_74] : memref<10240xf32, #tpu.memory_space<vmem_shared>> -> memref<128xf32, #tpu.memory_space<vmem_shared>>
      %dma_wait3A_112 = tpu.memref_slice %arg14[%add3A_74] : memref<10240xf32, #tpu.memory_space<vmem_shared>> -> memref<128xf32, #tpu.memory_space<vmem_shared>>
      %dma_wait3A_113 = arith.constant 0 : i32
      %dma_wait3A_114 = tpu.memref_slice %arg11[%run_scoped3A_75, %dma_wait3A_113] : memref<128x128xf32, #tpu.memory_space<vmem>> -> memref<1x128xf32, #tpu.memory_space<vmem>>
      %dma_wait3A_115 = tpu.memref_squeeze %dma_wait3A_114 : memref<1x128xf32, #tpu.memory_space<vmem>> -> memref<128xf32, #tpu.memory_space<vmem>>
      tpu.wait_dma2 semaphore(%run_scoped3A_101 : memref<!tpu.dma_semaphore, #tpu.memory_space<semaphore_mem>>) src(%dma_wait3A_115 : memref<128xf32, #tpu.memory_space<vmem>>) dst(%dma_wait3A_112 : memref<128xf32, #tpu.memory_space<vmem_shared>>)
      tpu.yield
    }) : () -> ()
    %add3A_76 = arith.constant 512 : i32
    %add3A_77 = arith.addi %mul3A_2, %add3A_76 : i32
    %run_scoped3A_78 = arith.constant 0 : i32
    "tpu.region"() ({
      %run_scoped3A_101 = tpu.sem_alloc : memref<!tpu.dma_semaphore, #tpu.memory_space<semaphore_mem>>
      %dma_start3A = arith.constant 0 : i32
      %dma_start3A_102 = tpu.memref_slice %arg11[%run_scoped3A_78, %dma_start3A] : memref<128x128xf32, #tpu.memory_space<vmem>> -> memref<1x128xf32, #tpu.memory_space<vmem>>
      %dma_start3A_103 = tpu.memref_squeeze %dma_start3A_102 : memref<1x128xf32, #tpu.memory_space<vmem>> -> memref<128xf32, #tpu.memory_space<vmem>>
      %dma_start3A_104 = tpu.memref_slice %arg14[%add3A_77] : memref<10240xf32, #tpu.memory_space<vmem_shared>> -> memref<128xf32, #tpu.memory_space<vmem_shared>>
      %dma_start3A_105 = tpu.memref_slice %arg14[%add3A_77] : memref<10240xf32, #tpu.memory_space<vmem_shared>> -> memref<128xf32, #tpu.memory_space<vmem_shared>>
      %dma_start3A_106 = arith.constant 0 : i32
      %dma_start3A_107 = tpu.memref_slice %arg11[%run_scoped3A_78, %dma_start3A_106] : memref<128x128xf32, #tpu.memory_space<vmem>> -> memref<1x128xf32, #tpu.memory_space<vmem>>
      %dma_start3A_108 = tpu.memref_squeeze %dma_start3A_107 : memref<1x128xf32, #tpu.memory_space<vmem>> -> memref<128xf32, #tpu.memory_space<vmem>>
      tpu.enqueue_dma source(%dma_start3A_108 : memref<128xf32, #tpu.memory_space<vmem>>) target(%dma_start3A_105 : memref<128xf32, #tpu.memory_space<vmem_shared>>) target_semaphore(%run_scoped3A_101 : memref<!tpu.dma_semaphore, #tpu.memory_space<semaphore_mem>>)
      %dma_wait3A = arith.constant 0 : i32
      %dma_wait3A_109 = tpu.memref_slice %arg11[%run_scoped3A_78, %dma_wait3A] : memref<128x128xf32, #tpu.memory_space<vmem>> -> memref<1x128xf32, #tpu.memory_space<vmem>>
      %dma_wait3A_110 = tpu.memref_squeeze %dma_wait3A_109 : memref<1x128xf32, #tpu.memory_space<vmem>> -> memref<128xf32, #tpu.memory_space<vmem>>
      %dma_wait3A_111 = tpu.memref_slice %arg14[%add3A_77] : memref<10240xf32, #tpu.memory_space<vmem_shared>> -> memref<128xf32, #tpu.memory_space<vmem_shared>>
      %dma_wait3A_112 = tpu.memref_slice %arg14[%add3A_77] : memref<10240xf32, #tpu.memory_space<vmem_shared>> -> memref<128xf32, #tpu.memory_space<vmem_shared>>
      %dma_wait3A_113 = arith.constant 0 : i32
      %dma_wait3A_114 = tpu.memref_slice %arg11[%run_scoped3A_78, %dma_wait3A_113] : memref<128x128xf32, #tpu.memory_space<vmem>> -> memref<1x128xf32, #tpu.memory_space<vmem>>
      %dma_wait3A_115 = tpu.memref_squeeze %dma_wait3A_114 : memref<1x128xf32, #tpu.memory_space<vmem>> -> memref<128xf32, #tpu.memory_space<vmem>>
      tpu.wait_dma2 semaphore(%run_scoped3A_101 : memref<!tpu.dma_semaphore, #tpu.memory_space<semaphore_mem>>) src(%dma_wait3A_115 : memref<128xf32, #tpu.memory_space<vmem>>) dst(%dma_wait3A_112 : memref<128xf32, #tpu.memory_space<vmem_shared>>)
      tpu.yield
    }) : () -> ()
    %barrier3A = arith.constant 0 : index
    tpu.barrier barrier_id(%barrier3A)
    %eq3A = arith.constant 0 : i32
    %eq3A_79 = arith.cmpi eq, %arg0, %eq3A : i32
    %convert_element_type3A = arith.extui %eq3A_79 : i1 to i32
    %cond3A = arith.constant 0 : i32
    %cond3A_80 = arith.cmpi ne, %convert_element_type3A, %cond3A : i32
    scf.if %cond3A_80 {
      "tpu.region"() ({
        %run_scoped3A_101 = tpu.sem_alloc : memref<!tpu.dma_semaphore, #tpu.memory_space<semaphore_mem>>
        %dma_start3A = arith.constant 0 : i32
        %dma_start3A_102 = arith.constant 0 : i32
        %dma_start3A_103 = tpu.memref_slice %arg3[%arg1, %dma_start3A, %dma_start3A_102] : memref<16x94x128xi32, #tpu.memory_space<hbm>> -> memref<1x94x128xi32, #tpu.memory_space<hbm>>
        %dma_start3A_104 = tpu.memref_squeeze %dma_start3A_103 : memref<1x94x128xi32, #tpu.memory_space<hbm>> -> memref<94x128xi32, #tpu.memory_space<hbm>>
        %dma_start3A_105 = arith.constant 0 : i32
        %dma_start3A_106 = arith.constant 0 : i32
        %dma_start3A_107 = tpu.memref_slice %arg3[%arg1, %dma_start3A_105, %dma_start3A_106] : memref<16x94x128xi32, #tpu.memory_space<hbm>> -> memref<1x94x128xi32, #tpu.memory_space<hbm>>
        %dma_start3A_108 = tpu.memref_squeeze %dma_start3A_107 : memref<1x94x128xi32, #tpu.memory_space<hbm>> -> memref<94x128xi32, #tpu.memory_space<hbm>>
        tpu.enqueue_dma source(%dma_start3A_108 : memref<94x128xi32, #tpu.memory_space<hbm>>) target(%arg9 : memref<94x128xi32, #tpu.memory_space<vmem>>) target_semaphore(%run_scoped3A_101 : memref<!tpu.dma_semaphore, #tpu.memory_space<semaphore_mem>>)
        %dma_wait3A = arith.constant 0 : i32
        %dma_wait3A_109 = arith.constant 0 : i32
        %dma_wait3A_110 = tpu.memref_slice %arg3[%arg1, %dma_wait3A, %dma_wait3A_109] : memref<16x94x128xi32, #tpu.memory_space<hbm>> -> memref<1x94x128xi32, #tpu.memory_space<hbm>>
        %dma_wait3A_111 = tpu.memref_squeeze %dma_wait3A_110 : memref<1x94x128xi32, #tpu.memory_space<hbm>> -> memref<94x128xi32, #tpu.memory_space<hbm>>
        %dma_wait3A_112 = arith.constant 0 : i32
        %dma_wait3A_113 = arith.constant 0 : i32
        %dma_wait3A_114 = tpu.memref_slice %arg3[%arg1, %dma_wait3A_112, %dma_wait3A_113] : memref<16x94x128xi32, #tpu.memory_space<hbm>> -> memref<1x94x128xi32, #tpu.memory_space<hbm>>
        %dma_wait3A_115 = tpu.memref_squeeze %dma_wait3A_114 : memref<1x94x128xi32, #tpu.memory_space<hbm>> -> memref<94x128xi32, #tpu.memory_space<hbm>>
        tpu.wait_dma2 semaphore(%run_scoped3A_101 : memref<!tpu.dma_semaphore, #tpu.memory_space<semaphore_mem>>) src(%dma_wait3A_115 : memref<94x128xi32, #tpu.memory_space<hbm>>) dst(%arg9 : memref<94x128xi32, #tpu.memory_space<vmem>>)
        tpu.yield
      }) : () -> ()
      "tpu.region"() ({
        %run_scoped3A_101 = tpu.sem_alloc : memref<!tpu.dma_semaphore, #tpu.memory_space<semaphore_mem>>
        %dma_start3A = arith.constant 0 : i32
        %dma_start3A_102 = arith.constant 0 : i32
        %dma_start3A_103 = tpu.memref_slice %arg5[%arg1, %dma_start3A, %dma_start3A_102] : memref<16x94x128xi32, #tpu.memory_space<hbm>> -> memref<1x94x128xi32, #tpu.memory_space<hbm>>
        %dma_start3A_104 = tpu.memref_squeeze %dma_start3A_103 : memref<1x94x128xi32, #tpu.memory_space<hbm>> -> memref<94x128xi32, #tpu.memory_space<hbm>>
        %dma_start3A_105 = arith.constant 0 : i32
        %dma_start3A_106 = arith.constant 0 : i32
        %dma_start3A_107 = tpu.memref_slice %arg5[%arg1, %dma_start3A_105, %dma_start3A_106] : memref<16x94x128xi32, #tpu.memory_space<hbm>> -> memref<1x94x128xi32, #tpu.memory_space<hbm>>
        %dma_start3A_108 = tpu.memref_squeeze %dma_start3A_107 : memref<1x94x128xi32, #tpu.memory_space<hbm>> -> memref<94x128xi32, #tpu.memory_space<hbm>>
        tpu.enqueue_dma source(%dma_start3A_108 : memref<94x128xi32, #tpu.memory_space<hbm>>) target(%arg10 : memref<94x128xi32, #tpu.memory_space<vmem>>) target_semaphore(%run_scoped3A_101 : memref<!tpu.dma_semaphore, #tpu.memory_space<semaphore_mem>>)
        %dma_wait3A = arith.constant 0 : i32
        %dma_wait3A_109 = arith.constant 0 : i32
        %dma_wait3A_110 = tpu.memref_slice %arg5[%arg1, %dma_wait3A, %dma_wait3A_109] : memref<16x94x128xi32, #tpu.memory_space<hbm>> -> memref<1x94x128xi32, #tpu.memory_space<hbm>>
        %dma_wait3A_111 = tpu.memref_squeeze %dma_wait3A_110 : memref<1x94x128xi32, #tpu.memory_space<hbm>> -> memref<94x128xi32, #tpu.memory_space<hbm>>
        %dma_wait3A_112 = arith.constant 0 : i32
        %dma_wait3A_113 = arith.constant 0 : i32
        %dma_wait3A_114 = tpu.memref_slice %arg5[%arg1, %dma_wait3A_112, %dma_wait3A_113] : memref<16x94x128xi32, #tpu.memory_space<hbm>> -> memref<1x94x128xi32, #tpu.memory_space<hbm>>
        %dma_wait3A_115 = tpu.memref_squeeze %dma_wait3A_114 : memref<1x94x128xi32, #tpu.memory_space<hbm>> -> memref<94x128xi32, #tpu.memory_space<hbm>>
        tpu.wait_dma2 semaphore(%run_scoped3A_101 : memref<!tpu.dma_semaphore, #tpu.memory_space<semaphore_mem>>) src(%dma_wait3A_115 : memref<94x128xi32, #tpu.memory_space<hbm>>) dst(%arg10 : memref<94x128xi32, #tpu.memory_space<vmem>>)
        tpu.yield
      }) : () -> ()
    } else {
    }
    %eq3A_81 = arith.constant 1 : i32
    %eq3A_82 = arith.cmpi eq, %arg0, %eq3A_81 : i32
    %convert_element_type3A_83 = arith.extui %eq3A_82 : i1 to i32
    %cond3A_84 = arith.constant 0 : i32
    %cond3A_85 = arith.cmpi ne, %convert_element_type3A_83, %cond3A_84 : i32
    scf.if %cond3A_85 {
      "tpu.region"() ({
        %run_scoped3A_101 = tpu.sem_alloc : memref<!tpu.dma_semaphore, #tpu.memory_space<semaphore_mem>>
        %dma_start3A = arith.constant 0 : i32
        %dma_start3A_102 = arith.constant 0 : i32
        %dma_start3A_103 = tpu.memref_slice %arg9[%dma_start3A, %dma_start3A_102] : memref<94x128xi32, #tpu.memory_space<vmem>> -> memref<63x128xi32, #tpu.memory_space<vmem>>
        %dma_start3A_104 = arith.constant 0 : i32
        %dma_start3A_105 = arith.constant 0 : i32
        %dma_start3A_106 = tpu.memref_slice %arg4[%arg1, %dma_start3A_104, %dma_start3A_105] : memref<16x63x128xi32, #tpu.memory_space<hbm>> -> memref<1x63x128xi32, #tpu.memory_space<hbm>>
        %dma_start3A_107 = tpu.memref_squeeze %dma_start3A_106 : memref<1x63x128xi32, #tpu.memory_space<hbm>> -> memref<63x128xi32, #tpu.memory_space<hbm>>
        %dma_start3A_108 = arith.constant 0 : i32
        %dma_start3A_109 = arith.constant 0 : i32
        %dma_start3A_110 = tpu.memref_slice %arg9[%dma_start3A_108, %dma_start3A_109] : memref<94x128xi32, #tpu.memory_space<vmem>> -> memref<63x128xi32, #tpu.memory_space<vmem>>
        %dma_start3A_111 = arith.constant 0 : i32
        %dma_start3A_112 = arith.constant 0 : i32
        %dma_start3A_113 = tpu.memref_slice %arg4[%arg1, %dma_start3A_111, %dma_start3A_112] : memref<16x63x128xi32, #tpu.memory_space<hbm>> -> memref<1x63x128xi32, #tpu.memory_space<hbm>>
        %dma_start3A_114 = tpu.memref_squeeze %dma_start3A_113 : memref<1x63x128xi32, #tpu.memory_space<hbm>> -> memref<63x128xi32, #tpu.memory_space<hbm>>
        tpu.enqueue_dma source(%dma_start3A_114 : memref<63x128xi32, #tpu.memory_space<hbm>>) target(%dma_start3A_110 : memref<63x128xi32, #tpu.memory_space<vmem>>) target_semaphore(%run_scoped3A_101 : memref<!tpu.dma_semaphore, #tpu.memory_space<semaphore_mem>>)
        %dma_wait3A = arith.constant 0 : i32
        %dma_wait3A_115 = arith.constant 0 : i32
        %dma_wait3A_116 = tpu.memref_slice %arg9[%dma_wait3A, %dma_wait3A_115] : memref<94x128xi32, #tpu.memory_space<vmem>> -> memref<63x128xi32, #tpu.memory_space<vmem>>
        %dma_wait3A_117 = arith.constant 0 : i32
        %dma_wait3A_118 = arith.constant 0 : i32
        %dma_wait3A_119 = tpu.memref_slice %arg4[%arg1, %dma_wait3A_117, %dma_wait3A_118] : memref<16x63x128xi32, #tpu.memory_space<hbm>> -> memref<1x63x128xi32, #tpu.memory_space<hbm>>
        %dma_wait3A_120 = tpu.memref_squeeze %dma_wait3A_119 : memref<1x63x128xi32, #tpu.memory_space<hbm>> -> memref<63x128xi32, #tpu.memory_space<hbm>>
        %dma_wait3A_121 = arith.constant 0 : i32
        %dma_wait3A_122 = arith.constant 0 : i32
        %dma_wait3A_123 = tpu.memref_slice %arg9[%dma_wait3A_121, %dma_wait3A_122] : memref<94x128xi32, #tpu.memory_space<vmem>> -> memref<63x128xi32, #tpu.memory_space<vmem>>
        %dma_wait3A_124 = arith.constant 0 : i32
        %dma_wait3A_125 = arith.constant 0 : i32
        %dma_wait3A_126 = tpu.memref_slice %arg4[%arg1, %dma_wait3A_124, %dma_wait3A_125] : memref<16x63x128xi32, #tpu.memory_space<hbm>> -> memref<1x63x128xi32, #tpu.memory_space<hbm>>
        %dma_wait3A_127 = tpu.memref_squeeze %dma_wait3A_126 : memref<1x63x128xi32, #tpu.memory_space<hbm>> -> memref<63x128xi32, #tpu.memory_space<hbm>>
        tpu.wait_dma2 semaphore(%run_scoped3A_101 : memref<!tpu.dma_semaphore, #tpu.memory_space<semaphore_mem>>) src(%dma_wait3A_127 : memref<63x128xi32, #tpu.memory_space<hbm>>) dst(%dma_wait3A_123 : memref<63x128xi32, #tpu.memory_space<vmem>>)
        tpu.yield
      }) : () -> ()
      "tpu.region"() ({
        %run_scoped3A_101 = tpu.sem_alloc : memref<!tpu.dma_semaphore, #tpu.memory_space<semaphore_mem>>
        %dma_start3A = arith.constant 0 : i32
        %dma_start3A_102 = arith.constant 0 : i32
        %dma_start3A_103 = tpu.memref_slice %arg10[%dma_start3A, %dma_start3A_102] : memref<94x128xi32, #tpu.memory_space<vmem>> -> memref<63x128xi32, #tpu.memory_space<vmem>>
        %dma_start3A_104 = arith.constant 0 : i32
        %dma_start3A_105 = arith.constant 0 : i32
        %dma_start3A_106 = tpu.memref_slice %arg6[%arg1, %dma_start3A_104, %dma_start3A_105] : memref<16x63x128xi32, #tpu.memory_space<hbm>> -> memref<1x63x128xi32, #tpu.memory_space<hbm>>
        %dma_start3A_107 = tpu.memref_squeeze %dma_start3A_106 : memref<1x63x128xi32, #tpu.memory_space<hbm>> -> memref<63x128xi32, #tpu.memory_space<hbm>>
        %dma_start3A_108 = arith.constant 0 : i32
        %dma_start3A_109 = arith.constant 0 : i32
        %dma_start3A_110 = tpu.memref_slice %arg10[%dma_start3A_108, %dma_start3A_109] : memref<94x128xi32, #tpu.memory_space<vmem>> -> memref<63x128xi32, #tpu.memory_space<vmem>>
        %dma_start3A_111 = arith.constant 0 : i32
        %dma_start3A_112 = arith.constant 0 : i32
        %dma_start3A_113 = tpu.memref_slice %arg6[%arg1, %dma_start3A_111, %dma_start3A_112] : memref<16x63x128xi32, #tpu.memory_space<hbm>> -> memref<1x63x128xi32, #tpu.memory_space<hbm>>
        %dma_start3A_114 = tpu.memref_squeeze %dma_start3A_113 : memref<1x63x128xi32, #tpu.memory_space<hbm>> -> memref<63x128xi32, #tpu.memory_space<hbm>>
        tpu.enqueue_dma source(%dma_start3A_114 : memref<63x128xi32, #tpu.memory_space<hbm>>) target(%dma_start3A_110 : memref<63x128xi32, #tpu.memory_space<vmem>>) target_semaphore(%run_scoped3A_101 : memref<!tpu.dma_semaphore, #tpu.memory_space<semaphore_mem>>)
        %dma_wait3A = arith.constant 0 : i32
        %dma_wait3A_115 = arith.constant 0 : i32
        %dma_wait3A_116 = tpu.memref_slice %arg10[%dma_wait3A, %dma_wait3A_115] : memref<94x128xi32, #tpu.memory_space<vmem>> -> memref<63x128xi32, #tpu.memory_space<vmem>>
        %dma_wait3A_117 = arith.constant 0 : i32
        %dma_wait3A_118 = arith.constant 0 : i32
        %dma_wait3A_119 = tpu.memref_slice %arg6[%arg1, %dma_wait3A_117, %dma_wait3A_118] : memref<16x63x128xi32, #tpu.memory_space<hbm>> -> memref<1x63x128xi32, #tpu.memory_space<hbm>>
        %dma_wait3A_120 = tpu.memref_squeeze %dma_wait3A_119 : memref<1x63x128xi32, #tpu.memory_space<hbm>> -> memref<63x128xi32, #tpu.memory_space<hbm>>
        %dma_wait3A_121 = arith.constant 0 : i32
        %dma_wait3A_122 = arith.constant 0 : i32
        %dma_wait3A_123 = tpu.memref_slice %arg10[%dma_wait3A_121, %dma_wait3A_122] : memref<94x128xi32, #tpu.memory_space<vmem>> -> memref<63x128xi32, #tpu.memory_space<vmem>>
        %dma_wait3A_124 = arith.constant 0 : i32
        %dma_wait3A_125 = arith.constant 0 : i32
        %dma_wait3A_126 = tpu.memref_slice %arg6[%arg1, %dma_wait3A_124, %dma_wait3A_125] : memref<16x63x128xi32, #tpu.memory_space<hbm>> -> memref<1x63x128xi32, #tpu.memory_space<hbm>>
        %dma_wait3A_127 = tpu.memref_squeeze %dma_wait3A_126 : memref<1x63x128xi32, #tpu.memory_space<hbm>> -> memref<63x128xi32, #tpu.memory_space<hbm>>
        tpu.wait_dma2 semaphore(%run_scoped3A_101 : memref<!tpu.dma_semaphore, #tpu.memory_space<semaphore_mem>>) src(%dma_wait3A_127 : memref<63x128xi32, #tpu.memory_space<hbm>>) dst(%dma_wait3A_123 : memref<63x128xi32, #tpu.memory_space<vmem>>)
        tpu.yield
      }) : () -> ()
    } else {
    }
    %eq3A_86 = arith.constant 0 : i32
    %eq3A_87 = arith.cmpi eq, %arg0, %eq3A_86 : i32
    %jit3A = arith.constant 94 : i32
    %jit3A_88 = arith.constant 63 : i32
    %select_n3A = arith.select %eq3A_87, %jit3A, %jit3A_88 : i32
    %while3A = arith.constant 0 : i32
    %while3A_89 = arith.constant 0 : i32
    %while3A_90 = arith.subi %select_n3A, %while3A : i32
    %while3A_91 = arith.addi %while3A, %while3A_90 : i32
    %while3A_92 = arith.constant 1 : i32
    %while3A_93 = arith.divsi %while3A_90, %while3A_92 : i32
    %while3A_94 = arith.muli %while3A_93, %while3A_92 : i32
    %while3A_95 = arith.addi %while3A, %while3A_94 : i32
    %while3A_96 = arith.constant 1 : i32
    %while3A_97 = scf.for %while3A_101 = %while3A to %while3A_95 step %while3A_96 iter_args(%while3A_102 = %while3A_89) -> (i32)  : i32 {
      %dma_start3A = arith.constant 0 : i32
      %dma_start3A_103 = tpu.memref_slice %arg9[%while3A_101, %dma_start3A] : memref<94x128xi32, #tpu.memory_space<vmem>> -> memref<1x128xi32, #tpu.memory_space<vmem>>
      %dma_start3A_104 = tpu.memref_squeeze %dma_start3A_103 : memref<1x128xi32, #tpu.memory_space<vmem>> -> memref<128xi32, #tpu.memory_space<vmem>>
      %dma_start3A_105 = arith.constant 0 : i32
      %dma_start3A_106 = arith.constant 0 : i32
      %dma_start3A_107 = tpu.memref_slice %arg2[%dma_start3A_105, %dma_start3A_106] : memref<10000x128xf32, #tpu.memory_space<hbm>> -> memref<10000x128xf32, #tpu.memory_space<hbm>>
      tpu.enqueue_indirect_dma source(%dma_start3A_107 : memref<10000x128xf32, #tpu.memory_space<hbm>>) target(%arg11 : memref<128x128xf32, #tpu.memory_space<vmem>>) offsets(%dma_start3A_104 : memref<128xi32, #tpu.memory_space<vmem>>) semaphore(%arg15 : memref<!tpu.dma_semaphore, #tpu.memory_space<semaphore_mem>>)
      %dma_wait3A = arith.constant 0 : i32
      %dma_wait3A_108 = tpu.memref_slice %arg9[%while3A_101, %dma_wait3A] : memref<94x128xi32, #tpu.memory_space<vmem>> -> memref<1x128xi32, #tpu.memory_space<vmem>>
      %dma_wait3A_109 = tpu.memref_squeeze %dma_wait3A_108 : memref<1x128xi32, #tpu.memory_space<vmem>> -> memref<128xi32, #tpu.memory_space<vmem>>
      %dma_wait3A_110 = arith.constant 0 : i32
      %dma_wait3A_111 = arith.constant 0 : i32
      %dma_wait3A_112 = tpu.memref_slice %arg2[%dma_wait3A_110, %dma_wait3A_111] : memref<10000x128xf32, #tpu.memory_space<hbm>> -> memref<10000x128xf32, #tpu.memory_space<hbm>>
      tpu.wait_indirect_dma semaphore(%arg15 : memref<!tpu.dma_semaphore, #tpu.memory_space<semaphore_mem>>) src(%dma_wait3A_112 : memref<10000x128xf32, #tpu.memory_space<hbm>>) dst(%arg11 : memref<128x128xf32, #tpu.memory_space<vmem>>)
      "tpu.region"() ({
        %run_scoped3A_114 = tpu.sem_alloc : memref<!tpu.dma_semaphore, #tpu.memory_space<semaphore_mem>>
        %dma_start3A_115 = arith.constant 0 : i32
        %dma_start3A_116 = tpu.memref_slice %arg10[%while3A_101, %dma_start3A_115] : memref<94x128xi32, #tpu.memory_space<vmem>> -> memref<1x128xi32, #tpu.memory_space<vmem>>
        %dma_start3A_117 = tpu.memref_squeeze %dma_start3A_116 : memref<1x128xi32, #tpu.memory_space<vmem>> -> memref<128xi32, #tpu.memory_space<vmem>>
        %dma_start3A_118 = arith.constant 0 : i32
        %dma_start3A_119 = arith.constant 0 : i32
        %dma_start3A_120 = tpu.memref_slice %arg13[%dma_start3A_118, %dma_start3A_119] : memref<10240x128xf32, #tpu.memory_space<vmem_shared>> -> memref<10240x128xf32, #tpu.memory_space<vmem_shared>>
        tpu.enqueue_indirect_dma source(%arg11 : memref<128x128xf32, #tpu.memory_space<vmem>>) target(%dma_start3A_120 : memref<10240x128xf32, #tpu.memory_space<vmem_shared>>) offsets(%dma_start3A_117 : memref<128xi32, #tpu.memory_space<vmem>>) semaphore(%run_scoped3A_114 : memref<!tpu.dma_semaphore, #tpu.memory_space<semaphore_mem>>) {add = true}
        %dma_wait3A_121 = arith.constant 0 : i32
        %dma_wait3A_122 = tpu.memref_slice %arg10[%while3A_101, %dma_wait3A_121] : memref<94x128xi32, #tpu.memory_space<vmem>> -> memref<1x128xi32, #tpu.memory_space<vmem>>
        %dma_wait3A_123 = tpu.memref_squeeze %dma_wait3A_122 : memref<1x128xi32, #tpu.memory_space<vmem>> -> memref<128xi32, #tpu.memory_space<vmem>>
        %dma_wait3A_124 = arith.constant 0 : i32
        %dma_wait3A_125 = arith.constant 0 : i32
        %dma_wait3A_126 = tpu.memref_slice %arg13[%dma_wait3A_124, %dma_wait3A_125] : memref<10240x128xf32, #tpu.memory_space<vmem_shared>> -> memref<10240x128xf32, #tpu.memory_space<vmem_shared>>
        tpu.wait_indirect_dma semaphore(%run_scoped3A_114 : memref<!tpu.dma_semaphore, #tpu.memory_space<semaphore_mem>>) src(%arg11 : memref<128x128xf32, #tpu.memory_space<vmem>>) dst(%dma_wait3A_126 : memref<10240x128xf32, #tpu.memory_space<vmem_shared>>)
        tpu.yield
      }) : () -> ()
      "tpu.region"() ({
        %run_scoped3A_114 = tpu.sem_alloc : memref<!tpu.dma_semaphore, #tpu.memory_space<semaphore_mem>>
        %dma_start3A_115 = arith.constant 0 : i32
        %dma_start3A_116 = tpu.memref_slice %arg10[%while3A_101, %dma_start3A_115] : memref<94x128xi32, #tpu.memory_space<vmem>> -> memref<1x128xi32, #tpu.memory_space<vmem>>
        %dma_start3A_117 = tpu.memref_squeeze %dma_start3A_116 : memref<1x128xi32, #tpu.memory_space<vmem>> -> memref<128xi32, #tpu.memory_space<vmem>>
        %dma_start3A_118 = arith.constant 0 : i32
        %dma_start3A_119 = tpu.memref_slice %arg14[%dma_start3A_118] : memref<10240xf32, #tpu.memory_space<vmem_shared>> -> memref<10240xf32, #tpu.memory_space<vmem_shared>>
        tpu.enqueue_indirect_dma source(%arg12 : memref<128xf32, #tpu.memory_space<vmem>>) target(%dma_start3A_119 : memref<10240xf32, #tpu.memory_space<vmem_shared>>) offsets(%dma_start3A_117 : memref<128xi32, #tpu.memory_space<vmem>>) semaphore(%run_scoped3A_114 : memref<!tpu.dma_semaphore, #tpu.memory_space<semaphore_mem>>) {add = true}
        %dma_wait3A_120 = arith.constant 0 : i32
        %dma_wait3A_121 = tpu.memref_slice %arg10[%while3A_101, %dma_wait3A_120] : memref<94x128xi32, #tpu.memory_space<vmem>> -> memref<1x128xi32, #tpu.memory_space<vmem>>
        %dma_wait3A_122 = tpu.memref_squeeze %dma_wait3A_121 : memref<1x128xi32, #tpu.memory_space<vmem>> -> memref<128xi32, #tpu.memory_space<vmem>>
        %dma_wait3A_123 = arith.constant 0 : i32
        %dma_wait3A_124 = tpu.memref_slice %arg14[%dma_wait3A_123] : memref<10240xf32, #tpu.memory_space<vmem_shared>> -> memref<10240xf32, #tpu.memory_space<vmem_shared>>
        tpu.wait_indirect_dma semaphore(%run_scoped3A_114 : memref<!tpu.dma_semaphore, #tpu.memory_space<semaphore_mem>>) src(%arg12 : memref<128xf32, #tpu.memory_space<vmem>>) dst(%dma_wait3A_124 : memref<10240xf32, #tpu.memory_space<vmem_shared>>)
        tpu.yield
      }) : () -> ()
      %while3A_113 = arith.constant 0 : i32
      scf.yield %while3A_113 : i32
    }
    %while3A_98 = arith.constant 1 : i32
    %while3A_99 = scf.for %while3A_101 = %while3A_95 to %while3A_91 step %while3A_98 iter_args(%while3A_102 = %while3A_97) -> (i32)  : i32 {
      %dma_start3A = arith.constant 0 : i32
      %dma_start3A_103 = tpu.memref_slice %arg9[%while3A_101, %dma_start3A] : memref<94x128xi32, #tpu.memory_space<vmem>> -> memref<1x128xi32, #tpu.memory_space<vmem>>
      %dma_start3A_104 = tpu.memref_squeeze %dma_start3A_103 : memref<1x128xi32, #tpu.memory_space<vmem>> -> memref<128xi32, #tpu.memory_space<vmem>>
      %dma_start3A_105 = arith.constant 0 : i32
      %dma_start3A_106 = arith.constant 0 : i32
      %dma_start3A_107 = tpu.memref_slice %arg2[%dma_start3A_105, %dma_start3A_106] : memref<10000x128xf32, #tpu.memory_space<hbm>> -> memref<10000x128xf32, #tpu.memory_space<hbm>>
      tpu.enqueue_indirect_dma source(%dma_start3A_107 : memref<10000x128xf32, #tpu.memory_space<hbm>>) target(%arg11 : memref<128x128xf32, #tpu.memory_space<vmem>>) offsets(%dma_start3A_104 : memref<128xi32, #tpu.memory_space<vmem>>) semaphore(%arg15 : memref<!tpu.dma_semaphore, #tpu.memory_space<semaphore_mem>>)
      %dma_wait3A = arith.constant 0 : i32
      %dma_wait3A_108 = tpu.memref_slice %arg9[%while3A_101, %dma_wait3A] : memref<94x128xi32, #tpu.memory_space<vmem>> -> memref<1x128xi32, #tpu.memory_space<vmem>>
      %dma_wait3A_109 = tpu.memref_squeeze %dma_wait3A_108 : memref<1x128xi32, #tpu.memory_space<vmem>> -> memref<128xi32, #tpu.memory_space<vmem>>
      %dma_wait3A_110 = arith.constant 0 : i32
      %dma_wait3A_111 = arith.constant 0 : i32
      %dma_wait3A_112 = tpu.memref_slice %arg2[%dma_wait3A_110, %dma_wait3A_111] : memref<10000x128xf32, #tpu.memory_space<hbm>> -> memref<10000x128xf32, #tpu.memory_space<hbm>>
      tpu.wait_indirect_dma semaphore(%arg15 : memref<!tpu.dma_semaphore, #tpu.memory_space<semaphore_mem>>) src(%dma_wait3A_112 : memref<10000x128xf32, #tpu.memory_space<hbm>>) dst(%arg11 : memref<128x128xf32, #tpu.memory_space<vmem>>)
      "tpu.region"() ({
        %run_scoped3A_114 = tpu.sem_alloc : memref<!tpu.dma_semaphore, #tpu.memory_space<semaphore_mem>>
        %dma_start3A_115 = arith.constant 0 : i32
        %dma_start3A_116 = tpu.memref_slice %arg10[%while3A_101, %dma_start3A_115] : memref<94x128xi32, #tpu.memory_space<vmem>> -> memref<1x128xi32, #tpu.memory_space<vmem>>
        %dma_start3A_117 = tpu.memref_squeeze %dma_start3A_116 : memref<1x128xi32, #tpu.memory_space<vmem>> -> memref<128xi32, #tpu.memory_space<vmem>>
        %dma_start3A_118 = arith.constant 0 : i32
        %dma_start3A_119 = arith.constant 0 : i32
        %dma_start3A_120 = tpu.memref_slice %arg13[%dma_start3A_118, %dma_start3A_119] : memref<10240x128xf32, #tpu.memory_space<vmem_shared>> -> memref<10240x128xf32, #tpu.memory_space<vmem_shared>>
        tpu.enqueue_indirect_dma source(%arg11 : memref<128x128xf32, #tpu.memory_space<vmem>>) target(%dma_start3A_120 : memref<10240x128xf32, #tpu.memory_space<vmem_shared>>) offsets(%dma_start3A_117 : memref<128xi32, #tpu.memory_space<vmem>>) semaphore(%run_scoped3A_114 : memref<!tpu.dma_semaphore, #tpu.memory_space<semaphore_mem>>) {add = true}
        %dma_wait3A_121 = arith.constant 0 : i32
        %dma_wait3A_122 = tpu.memref_slice %arg10[%while3A_101, %dma_wait3A_121] : memref<94x128xi32, #tpu.memory_space<vmem>> -> memref<1x128xi32, #tpu.memory_space<vmem>>
        %dma_wait3A_123 = tpu.memref_squeeze %dma_wait3A_122 : memref<1x128xi32, #tpu.memory_space<vmem>> -> memref<128xi32, #tpu.memory_space<vmem>>
        %dma_wait3A_124 = arith.constant 0 : i32
        %dma_wait3A_125 = arith.constant 0 : i32
        %dma_wait3A_126 = tpu.memref_slice %arg13[%dma_wait3A_124, %dma_wait3A_125] : memref<10240x128xf32, #tpu.memory_space<vmem_shared>> -> memref<10240x128xf32, #tpu.memory_space<vmem_shared>>
        tpu.wait_indirect_dma semaphore(%run_scoped3A_114 : memref<!tpu.dma_semaphore, #tpu.memory_space<semaphore_mem>>) src(%arg11 : memref<128x128xf32, #tpu.memory_space<vmem>>) dst(%dma_wait3A_126 : memref<10240x128xf32, #tpu.memory_space<vmem_shared>>)
        tpu.yield
      }) : () -> ()
      "tpu.region"() ({
        %run_scoped3A_114 = tpu.sem_alloc : memref<!tpu.dma_semaphore, #tpu.memory_space<semaphore_mem>>
        %dma_start3A_115 = arith.constant 0 : i32
        %dma_start3A_116 = tpu.memref_slice %arg10[%while3A_101, %dma_start3A_115] : memref<94x128xi32, #tpu.memory_space<vmem>> -> memref<1x128xi32, #tpu.memory_space<vmem>>
        %dma_start3A_117 = tpu.memref_squeeze %dma_start3A_116 : memref<1x128xi32, #tpu.memory_space<vmem>> -> memref<128xi32, #tpu.memory_space<vmem>>
        %dma_start3A_118 = arith.constant 0 : i32
        %dma_start3A_119 = tpu.memref_slice %arg14[%dma_start3A_118] : memref<10240xf32, #tpu.memory_space<vmem_shared>> -> memref<10240xf32, #tpu.memory_space<vmem_shared>>
        tpu.enqueue_indirect_dma source(%arg12 : memref<128xf32, #tpu.memory_space<vmem>>) target(%dma_start3A_119 : memref<10240xf32, #tpu.memory_space<vmem_shared>>) offsets(%dma_start3A_117 : memref<128xi32, #tpu.memory_space<vmem>>) semaphore(%run_scoped3A_114 : memref<!tpu.dma_semaphore, #tpu.memory_space<semaphore_mem>>) {add = true}
        %dma_wait3A_120 = arith.constant 0 : i32
        %dma_wait3A_121 = tpu.memref_slice %arg10[%while3A_101, %dma_wait3A_120] : memref<94x128xi32, #tpu.memory_space<vmem>> -> memref<1x128xi32, #tpu.memory_space<vmem>>
        %dma_wait3A_122 = tpu.memref_squeeze %dma_wait3A_121 : memref<1x128xi32, #tpu.memory_space<vmem>> -> memref<128xi32, #tpu.memory_space<vmem>>
        %dma_wait3A_123 = arith.constant 0 : i32
        %dma_wait3A_124 = tpu.memref_slice %arg14[%dma_wait3A_123] : memref<10240xf32, #tpu.memory_space<vmem_shared>> -> memref<10240xf32, #tpu.memory_space<vmem_shared>>
        tpu.wait_indirect_dma semaphore(%run_scoped3A_114 : memref<!tpu.dma_semaphore, #tpu.memory_space<semaphore_mem>>) src(%arg12 : memref<128xf32, #tpu.memory_space<vmem>>) dst(%dma_wait3A_124 : memref<10240xf32, #tpu.memory_space<vmem_shared>>)
        tpu.yield
      }) : () -> ()
      %while3A_113 = arith.constant 0 : i32
      scf.yield %while3A_113 : i32
    }
    %barrier3A_100 = arith.constant 0 : index
    tpu.barrier barrier_id(%barrier3A_100)
    "tpu.region"() ({
      %run_scoped3A_101 = tpu.sem_alloc : memref<!tpu.dma_semaphore, #tpu.memory_space<semaphore_mem>>
      %dma_start3A = arith.constant 0 : i32
      %dma_start3A_102 = tpu.memref_slice %arg7[%arg0, %mul3A_2, %dma_start3A] : memref<2x10240x128xf32, #tpu.memory_space<hbm>> -> memref<1x640x128xf32, #tpu.memory_space<hbm>>
      %dma_start3A_103 = tpu.memref_squeeze %dma_start3A_102 : memref<1x640x128xf32, #tpu.memory_space<hbm>> -> memref<640x128xf32, #tpu.memory_space<hbm>>
      %dma_start3A_104 = arith.constant 0 : i32
      %dma_start3A_105 = tpu.memref_slice %arg13[%mul3A_2, %dma_start3A_104] : memref<10240x128xf32, #tpu.memory_space<vmem_shared>> -> memref<640x128xf32, #tpu.memory_space<vmem_shared>>
      tpu.enqueue_dma source(%dma_start3A_105 : memref<640x128xf32, #tpu.memory_space<vmem_shared>>) target(%dma_start3A_103 : memref<640x128xf32, #tpu.memory_space<hbm>>) target_semaphore(%run_scoped3A_101 : memref<!tpu.dma_semaphore, #tpu.memory_space<semaphore_mem>>)
      %dma_wait3A = arith.constant 0 : i32
      %dma_wait3A_106 = tpu.memref_slice %arg7[%arg0, %mul3A_2, %dma_wait3A] : memref<2x10240x128xf32, #tpu.memory_space<hbm>> -> memref<1x640x128xf32, #tpu.memory_space<hbm>>
      %dma_wait3A_107 = tpu.memref_squeeze %dma_wait3A_106 : memref<1x640x128xf32, #tpu.memory_space<hbm>> -> memref<640x128xf32, #tpu.memory_space<hbm>>
      %dma_wait3A_108 = arith.constant 0 : i32
      %dma_wait3A_109 = tpu.memref_slice %arg13[%mul3A_2, %dma_wait3A_108] : memref<10240x128xf32, #tpu.memory_space<vmem_shared>> -> memref<640x128xf32, #tpu.memory_space<vmem_shared>>
      tpu.wait_dma2 semaphore(%run_scoped3A_101 : memref<!tpu.dma_semaphore, #tpu.memory_space<semaphore_mem>>) src(%dma_wait3A_109 : memref<640x128xf32, #tpu.memory_space<vmem_shared>>) dst(%dma_wait3A_107 : memref<640x128xf32, #tpu.memory_space<hbm>>)
      tpu.yield
    }) : () -> ()
    "tpu.region"() ({
      %run_scoped3A_101 = tpu.sem_alloc : memref<!tpu.dma_semaphore, #tpu.memory_space<semaphore_mem>>
      %dma_start3A = tpu.memref_slice %arg8[%arg0, %mul3A_2] : memref<2x10240xf32, #tpu.memory_space<hbm>> -> memref<1x640xf32, #tpu.memory_space<hbm>>
      %dma_start3A_102 = tpu.memref_squeeze %dma_start3A : memref<1x640xf32, #tpu.memory_space<hbm>> -> memref<640xf32, #tpu.memory_space<hbm>>
      %dma_start3A_103 = tpu.memref_slice %arg14[%mul3A_2] : memref<10240xf32, #tpu.memory_space<vmem_shared>> -> memref<640xf32, #tpu.memory_space<vmem_shared>>
      tpu.enqueue_dma source(%dma_start3A_103 : memref<640xf32, #tpu.memory_space<vmem_shared>>) target(%dma_start3A_102 : memref<640xf32, #tpu.memory_space<hbm>>) target_semaphore(%run_scoped3A_101 : memref<!tpu.dma_semaphore, #tpu.memory_space<semaphore_mem>>)
      %dma_wait3A = tpu.memref_slice %arg8[%arg0, %mul3A_2] : memref<2x10240xf32, #tpu.memory_space<hbm>> -> memref<1x640xf32, #tpu.memory_space<hbm>>
      %dma_wait3A_104 = tpu.memref_squeeze %dma_wait3A : memref<1x640xf32, #tpu.memory_space<hbm>> -> memref<640xf32, #tpu.memory_space<hbm>>
      %dma_wait3A_105 = tpu.memref_slice %arg14[%mul3A_2] : memref<10240xf32, #tpu.memory_space<vmem_shared>> -> memref<640xf32, #tpu.memory_space<vmem_shared>>
      tpu.wait_dma2 semaphore(%run_scoped3A_101 : memref<!tpu.dma_semaphore, #tpu.memory_space<semaphore_mem>>) src(%dma_wait3A_105 : memref<640xf32, #tpu.memory_space<vmem_shared>>) dst(%dma_wait3A_104 : memref<640xf32, #tpu.memory_space<hbm>>)
      tpu.yield
    }) : () -> ()
    return
  }
}

module attributes {stable_mosaic.version = 14 : i64} {
  func.func @body(%arg0: i32, %arg1: memref<2x400x128xf32, #tpu.memory_space<vmem>>, %arg2: memref<1x2x400xf32, #tpu.memory_space<vmem>>, %arg3: memref<400x128xf32, #tpu.memory_space<vmem>>, %arg4: memref<128x128xf32, #tpu.memory_space<vmem>>, %arg5: memref<1x128xf32, #tpu.memory_space<vmem>>, %arg6: memref<128x128xf32, #tpu.memory_space<vmem>>, %arg7: memref<400x128xf32, #tpu.memory_space<vmem>>) attributes {dimension_semantics = [#tpu.dimension_semantics<arbitrary>], iteration_bounds = array<i64: 25>, scalar_prefetch = 0 : i64, scratch_operands = 0 : i64, tpu.core_type = #tpu.core_type<tc>, window_params = [{transform_indices = @transform_0, window_bounds = array<i64: 2, 400, 128>}, {transform_indices = @transform_1, window_bounds = array<i64: 1, 2, 400>}, {transform_indices = @transform_2, window_bounds = array<i64: 400, 128>}, {pipeline_mode = #tpu.pipeline_mode<synchronous>, transform_indices = @transform_3, window_bounds = array<i64: 128, 128>}, {pipeline_mode = #tpu.pipeline_mode<synchronous>, transform_indices = @transform_4, window_bounds = array<i64: 1, 128>}, {pipeline_mode = #tpu.pipeline_mode<synchronous>, transform_indices = @transform_5, window_bounds = array<i64: 128, 128>}, {transform_indices = @transform_6, window_bounds = array<i64: 400, 128>}]} {
    %get3A = arith.constant 0 : index
    %get3A_0 = arith.constant 0 : index
    %get3A_1 = arith.constant 0 : index
    %get3A_2 = vector.load %arg1[%get3A, %get3A_0, %get3A_1] : memref<2x400x128xf32, #tpu.memory_space<vmem>>, vector<1x400x128xf32>
    %get3A_3 = vector.shape_cast %get3A_2 : vector<1x400x128xf32> to vector<400x128xf32>
    %get3A_4 = arith.constant 1 : index
    %get3A_5 = arith.constant 0 : index
    %get3A_6 = arith.constant 0 : index
    %get3A_7 = vector.load %arg1[%get3A_4, %get3A_5, %get3A_6] : memref<2x400x128xf32, #tpu.memory_space<vmem>>, vector<1x400x128xf32>
    %get3A_8 = vector.shape_cast %get3A_7 : vector<1x400x128xf32> to vector<400x128xf32>
    %add3A = arith.addf %get3A_3, %get3A_8 : vector<400x128xf32>
    %get3A_9 = arith.constant 0 : index
    %get3A_10 = arith.constant 0 : index
    %get3A_11 = arith.constant 0 : index
    %get3A_12 = vector.load %arg2[%get3A_9, %get3A_10, %get3A_11] : memref<1x2x400xf32, #tpu.memory_space<vmem>>, vector<1x1x400xf32>
    %get3A_13 = vector.shape_cast %get3A_12 : vector<1x1x400xf32> to vector<400xf32>
    %get3A_14 = arith.constant 0 : index
    %get3A_15 = arith.constant 1 : index
    %get3A_16 = arith.constant 0 : index
    %get3A_17 = vector.load %arg2[%get3A_14, %get3A_15, %get3A_16] : memref<1x2x400xf32, #tpu.memory_space<vmem>>, vector<1x1x400xf32>
    %get3A_18 = vector.shape_cast %get3A_17 : vector<1x1x400xf32> to vector<400xf32>
    %add3A_19 = arith.addf %get3A_13, %get3A_18 : vector<400xf32>
    %jit3A = arith.constant 1.000000e+00 : f32
    %max3A = vector.broadcast %jit3A : f32 to vector<400xf32>
    %max3A_20 = arith.maximumf %max3A, %add3A_19 : vector<400xf32>
    %broadcast_in_dim3A = vector.shape_cast %max3A_20 : vector<400xf32> to vector<400x1xf32>
    %div3A = vector.broadcast %broadcast_in_dim3A : vector<400x1xf32> to vector<400x128xf32>
    %div3A_21 = arith.divf %add3A, %div3A : vector<400x128xf32>
    %get3A_22 = arith.constant 0 : index
    %get3A_23 = arith.constant 0 : index
    %get3A_24 = vector.load %arg4[%get3A_22, %get3A_23] : memref<128x128xf32, #tpu.memory_space<vmem>>, vector<128x128xf32>
    %dot_general3A = arith.constant dense<0.000000e+00> : vector<400x128xf32>
    %dot_general3A_25 = tpu.matmul %div3A_21, %get3A_24, %dot_general3A {dimension_numbers = #tpu.dot_dimension_numbers<[1], [0], [0], [1], [0, 0, 1, 1], [], []>, precision = #tpu.contract_precision<fp32>, transpose_lhs_hint = false} : vector<400x128xf32>, vector<128x128xf32>, vector<400x128xf32> -> vector<400x128xf32>
    %get3A_26 = arith.constant 0 : index
    %get3A_27 = arith.constant 0 : index
    %get3A_28 = vector.load %arg5[%get3A_26, %get3A_27] : memref<1x128xf32, #tpu.memory_space<vmem>>, vector<1x128xf32>
    %add3A_29 = vector.broadcast %get3A_28 : vector<1x128xf32> to vector<400x128xf32>
    %add3A_30 = arith.addf %dot_general3A_25, %add3A_29 : vector<400x128xf32>
    %get3A_31 = arith.constant 0 : index
    %get3A_32 = arith.constant 0 : index
    %get3A_33 = vector.load %arg3[%get3A_31, %get3A_32] : memref<400x128xf32, #tpu.memory_space<vmem>>, vector<400x128xf32>
    %get3A_34 = arith.constant 0 : index
    %get3A_35 = arith.constant 0 : index
    %get3A_36 = vector.load %arg6[%get3A_34, %get3A_35] : memref<128x128xf32, #tpu.memory_space<vmem>>, vector<128x128xf32>
    %dot_general3A_37 = arith.constant dense<0.000000e+00> : vector<400x128xf32>
    %dot_general3A_38 = tpu.matmul %get3A_33, %get3A_36, %dot_general3A_37 {dimension_numbers = #tpu.dot_dimension_numbers<[1], [0], [0], [1], [0, 0, 1, 1], [], []>, precision = #tpu.contract_precision<fp32>, transpose_lhs_hint = false} : vector<400x128xf32>, vector<128x128xf32>, vector<400x128xf32> -> vector<400x128xf32>
    %add3A_39 = arith.addf %add3A_30, %dot_general3A_38 : vector<400x128xf32>
    %mul3A = arith.mulf %add3A_39, %add3A_39 : vector<400x128xf32>
    %reduce_sum3A = arith.constant dense<0.000000e+00> : vector<400xf32>
    %reduce_sum3A_40 = vector.multi_reduction <add>, %mul3A, %reduce_sum3A [1] : vector<400x128xf32> to vector<400xf32>
    %broadcast_in_dim3A_41 = vector.shape_cast %reduce_sum3A_40 : vector<400xf32> to vector<400x1xf32>
    %sqrt3A = math.sqrt %broadcast_in_dim3A_41 : vector<400x1xf32>
    %jit3A_42 = arith.constant 9.99999996E-13 : f32
    %max3A_43 = vector.broadcast %jit3A_42 : f32 to vector<400x1xf32>
    %max3A_44 = arith.maximumf %max3A_43, %sqrt3A : vector<400x1xf32>
    %div3A_45 = vector.broadcast %max3A_44 : vector<400x1xf32> to vector<400x128xf32>
    %div3A_46 = arith.divf %add3A_39, %div3A_45 : vector<400x128xf32>
    %ge3A = arith.constant 0.000000e+00 : f32
    %ge3A_47 = vector.broadcast %ge3A : f32 to vector<400x128xf32>
    %ge3A_48 = arith.cmpf oge, %div3A_46, %ge3A_47 : vector<400x128xf32>
    %mul3A_49 = arith.constant 0.00999999977 : f32
    %mul3A_50 = vector.broadcast %mul3A_49 : f32 to vector<400x128xf32>
    %mul3A_51 = arith.mulf %mul3A_50, %div3A_46 : vector<400x128xf32>
    %select_n3A = arith.select %ge3A_48, %div3A_46, %mul3A_51 : vector<400x128xi1>, vector<400x128xf32>
    %swap3A = arith.constant 0 : index
    %swap3A_52 = arith.constant 0 : index
    %swap3A_53 = vector.load %arg7[%swap3A, %swap3A_52] : memref<400x128xf32, #tpu.memory_space<vmem>>, vector<400x128xf32>
    tpu.vector_store %arg7[%swap3A, %swap3A_52], %select_n3A {strides = array<i32>} : memref<400x128xf32, #tpu.memory_space<vmem>>, vector<400x128xf32>,
    return
  }
  func.func @transform_0(%arg0: i32) -> (i32, i32, i32) {
    %c0_i32 = arith.constant 0 : i32
    %c0_i32_0 = arith.constant 0 : i32
    %c0_i32_1 = arith.constant 0 : i32
    return %c0_i32, %arg0, %c0_i32_0 : i32, i32, i32
  }
  func.func @transform_1(%arg0: i32) -> (i32, i32, i32) {
    %c0_i32 = arith.constant 0 : i32
    %c0_i32_0 = arith.constant 0 : i32
    %c0_i32_1 = arith.constant 0 : i32
    return %arg0, %c0_i32, %c0_i32_0 : i32, i32, i32
  }
  func.func @transform_2(%arg0: i32) -> (i32, i32) {
    %c0_i32 = arith.constant 0 : i32
    %c0_i32_0 = arith.constant 0 : i32
    return %arg0, %c0_i32 : i32, i32
  }
  func.func @transform_3(%arg0: i32) -> (i32, i32) {
    %c0_i32 = arith.constant 0 : i32
    %c0_i32_0 = arith.constant 0 : i32
    %c0_i32_1 = arith.constant 0 : i32
    return %c0_i32, %c0_i32_0 : i32, i32
  }
  func.func @transform_4(%arg0: i32) -> (i32, i32) {
    %c0_i32 = arith.constant 0 : i32
    %c0_i32_0 = arith.constant 0 : i32
    %c0_i32_1 = arith.constant 0 : i32
    return %c0_i32, %c0_i32_0 : i32, i32
  }
  func.func @transform_5(%arg0: i32) -> (i32, i32) {
    %c0_i32 = arith.constant 0 : i32
    %c0_i32_0 = arith.constant 0 : i32
    %c0_i32_1 = arith.constant 0 : i32
    return %c0_i32, %c0_i32_0 : i32, i32
  }
  func.func @transform_6(%arg0: i32) -> (i32, i32) {
    %c0_i32 = arith.constant 0 : i32
    %c0_i32_0 = arith.constant 0 : i32
    return %arg0, %c0_i32 : i32, i32
  }
}

module attributes {stable_mosaic.version = 14 : i64} {
  func.func @body(%arg0: i32, %arg1: memref<2x400x128xf32, #tpu.memory_space<vmem>>, %arg2: memref<1x2x400xf32, #tpu.memory_space<vmem>>, %arg3: memref<400x128xf32, #tpu.memory_space<vmem>>, %arg4: memref<128x128xf32, #tpu.memory_space<vmem>>, %arg5: memref<1x128xf32, #tpu.memory_space<vmem>>, %arg6: memref<128x128xf32, #tpu.memory_space<vmem>>, %arg7: memref<128x1xf32, #tpu.memory_space<vmem>>, %arg8: memref<1x1xf32, #tpu.memory_space<vmem>>, %arg9: memref<400x1xf32, #tpu.memory_space<vmem>>) attributes {dimension_semantics = [#tpu.dimension_semantics<arbitrary>], iteration_bounds = array<i64: 25>, scalar_prefetch = 0 : i64, scratch_operands = 0 : i64, tpu.core_type = #tpu.core_type<tc>, window_params = [{transform_indices = @transform_0, window_bounds = array<i64: 2, 400, 128>}, {transform_indices = @transform_1, window_bounds = array<i64: 1, 2, 400>}, {transform_indices = @transform_2, window_bounds = array<i64: 400, 128>}, {pipeline_mode = #tpu.pipeline_mode<synchronous>, transform_indices = @transform_3, window_bounds = array<i64: 128, 128>}, {pipeline_mode = #tpu.pipeline_mode<synchronous>, transform_indices = @transform_4, window_bounds = array<i64: 1, 128>}, {pipeline_mode = #tpu.pipeline_mode<synchronous>, transform_indices = @transform_5, window_bounds = array<i64: 128, 128>}, {pipeline_mode = #tpu.pipeline_mode<synchronous>, transform_indices = @transform_6, window_bounds = array<i64: 128, 1>}, {pipeline_mode = #tpu.pipeline_mode<synchronous>, transform_indices = @transform_7, window_bounds = array<i64: 1, 1>}, {transform_indices = @transform_8, window_bounds = array<i64: 400, 1>}]} {
    %get3A = arith.constant 0 : index
    %get3A_0 = arith.constant 0 : index
    %get3A_1 = arith.constant 0 : index
    %get3A_2 = vector.load %arg1[%get3A, %get3A_0, %get3A_1] : memref<2x400x128xf32, #tpu.memory_space<vmem>>, vector<1x400x128xf32>
    %get3A_3 = vector.shape_cast %get3A_2 : vector<1x400x128xf32> to vector<400x128xf32>
    %get3A_4 = arith.constant 1 : index
    %get3A_5 = arith.constant 0 : index
    %get3A_6 = arith.constant 0 : index
    %get3A_7 = vector.load %arg1[%get3A_4, %get3A_5, %get3A_6] : memref<2x400x128xf32, #tpu.memory_space<vmem>>, vector<1x400x128xf32>
    %get3A_8 = vector.shape_cast %get3A_7 : vector<1x400x128xf32> to vector<400x128xf32>
    %add3A = arith.addf %get3A_3, %get3A_8 : vector<400x128xf32>
    %get3A_9 = arith.constant 0 : index
    %get3A_10 = arith.constant 0 : index
    %get3A_11 = arith.constant 0 : index
    %get3A_12 = vector.load %arg2[%get3A_9, %get3A_10, %get3A_11] : memref<1x2x400xf32, #tpu.memory_space<vmem>>, vector<1x1x400xf32>
    %get3A_13 = vector.shape_cast %get3A_12 : vector<1x1x400xf32> to vector<400xf32>
    %get3A_14 = arith.constant 0 : index
    %get3A_15 = arith.constant 1 : index
    %get3A_16 = arith.constant 0 : index
    %get3A_17 = vector.load %arg2[%get3A_14, %get3A_15, %get3A_16] : memref<1x2x400xf32, #tpu.memory_space<vmem>>, vector<1x1x400xf32>
    %get3A_18 = vector.shape_cast %get3A_17 : vector<1x1x400xf32> to vector<400xf32>
    %add3A_19 = arith.addf %get3A_13, %get3A_18 : vector<400xf32>
    %jit3A = arith.constant 1.000000e+00 : f32
    %max3A = vector.broadcast %jit3A : f32 to vector<400xf32>
    %max3A_20 = arith.maximumf %max3A, %add3A_19 : vector<400xf32>
    %broadcast_in_dim3A = vector.shape_cast %max3A_20 : vector<400xf32> to vector<400x1xf32>
    %div3A = vector.broadcast %broadcast_in_dim3A : vector<400x1xf32> to vector<400x128xf32>
    %div3A_21 = arith.divf %add3A, %div3A : vector<400x128xf32>
    %get3A_22 = arith.constant 0 : index
    %get3A_23 = arith.constant 0 : index
    %get3A_24 = vector.load %arg4[%get3A_22, %get3A_23] : memref<128x128xf32, #tpu.memory_space<vmem>>, vector<128x128xf32>
    %dot_general3A = arith.constant dense<0.000000e+00> : vector<400x128xf32>
    %dot_general3A_25 = tpu.matmul %div3A_21, %get3A_24, %dot_general3A {dimension_numbers = #tpu.dot_dimension_numbers<[1], [0], [0], [1], [0, 0, 1, 1], [], []>, precision = #tpu.contract_precision<fp32>, transpose_lhs_hint = false} : vector<400x128xf32>, vector<128x128xf32>, vector<400x128xf32> -> vector<400x128xf32>
    %get3A_26 = arith.constant 0 : index
    %get3A_27 = arith.constant 0 : index
    %get3A_28 = vector.load %arg5[%get3A_26, %get3A_27] : memref<1x128xf32, #tpu.memory_space<vmem>>, vector<1x128xf32>
    %add3A_29 = vector.broadcast %get3A_28 : vector<1x128xf32> to vector<400x128xf32>
    %add3A_30 = arith.addf %dot_general3A_25, %add3A_29 : vector<400x128xf32>
    %get3A_31 = arith.constant 0 : index
    %get3A_32 = arith.constant 0 : index
    %get3A_33 = vector.load %arg3[%get3A_31, %get3A_32] : memref<400x128xf32, #tpu.memory_space<vmem>>, vector<400x128xf32>
    %get3A_34 = arith.constant 0 : index
    %get3A_35 = arith.constant 0 : index
    %get3A_36 = vector.load %arg6[%get3A_34, %get3A_35] : memref<128x128xf32, #tpu.memory_space<vmem>>, vector<128x128xf32>
    %dot_general3A_37 = arith.constant dense<0.000000e+00> : vector<400x128xf32>
    %dot_general3A_38 = tpu.matmul %get3A_33, %get3A_36, %dot_general3A_37 {dimension_numbers = #tpu.dot_dimension_numbers<[1], [0], [0], [1], [0, 0, 1, 1], [], []>, precision = #tpu.contract_precision<fp32>, transpose_lhs_hint = false} : vector<400x128xf32>, vector<128x128xf32>, vector<400x128xf32> -> vector<400x128xf32>
    %add3A_39 = arith.addf %add3A_30, %dot_general3A_38 : vector<400x128xf32>
    %ge3A = arith.constant 0.000000e+00 : f32
    %ge3A_40 = vector.broadcast %ge3A : f32 to vector<400x128xf32>
    %ge3A_41 = arith.cmpf oge, %add3A_39, %ge3A_40 : vector<400x128xf32>
    %mul3A = arith.constant 0.00999999977 : f32
    %mul3A_42 = vector.broadcast %mul3A : f32 to vector<400x128xf32>
    %mul3A_43 = arith.mulf %mul3A_42, %add3A_39 : vector<400x128xf32>
    %select_n3A = arith.select %ge3A_41, %add3A_39, %mul3A_43 : vector<400x128xi1>, vector<400x128xf32>
    %get3A_44 = arith.constant 0 : index
    %get3A_45 = arith.constant 0 : index
    %get3A_46 = vector.load %arg7[%get3A_44, %get3A_45] : memref<128x1xf32, #tpu.memory_space<vmem>>, vector<128x1xf32>
    %dot_general3A_47 = arith.constant dense<0.000000e+00> : vector<400x1xf32>
    %dot_general3A_48 = tpu.matmul %select_n3A, %get3A_46, %dot_general3A_47 {dimension_numbers = #tpu.dot_dimension_numbers<[1], [0], [0], [1], [0, 0, 1, 1], [], []>, precision = #tpu.contract_precision<fp32>, transpose_lhs_hint = false} : vector<400x128xf32>, vector<128x1xf32>, vector<400x1xf32> -> vector<400x1xf32>
    %get3A_49 = arith.constant 0 : index
    %get3A_50 = arith.constant 0 : index
    %get3A_51 = vector.load %arg8[%get3A_49, %get3A_50] : memref<1x1xf32, #tpu.memory_space<vmem>>, vector<1x1xf32>
    %add3A_52 = vector.broadcast %get3A_51 : vector<1x1xf32> to vector<400x1xf32>
    %add3A_53 = arith.addf %dot_general3A_48, %add3A_52 : vector<400x1xf32>
    %swap3A = arith.constant 0 : index
    %swap3A_54 = arith.constant 0 : index
    %swap3A_55 = vector.load %arg9[%swap3A, %swap3A_54] : memref<400x1xf32, #tpu.memory_space<vmem>>, vector<400x1xf32>
    tpu.vector_store %arg9[%swap3A, %swap3A_54], %add3A_53 {strides = array<i32>} : memref<400x1xf32, #tpu.memory_space<vmem>>, vector<400x1xf32>,
    return
  }
  func.func @transform_0(%arg0: i32) -> (i32, i32, i32) {
    %c0_i32 = arith.constant 0 : i32
    %c0_i32_0 = arith.constant 0 : i32
    %c0_i32_1 = arith.constant 0 : i32
    return %c0_i32, %arg0, %c0_i32_0 : i32, i32, i32
  }
  func.func @transform_1(%arg0: i32) -> (i32, i32, i32) {
    %c0_i32 = arith.constant 0 : i32
    %c0_i32_0 = arith.constant 0 : i32
    %c0_i32_1 = arith.constant 0 : i32
    return %arg0, %c0_i32, %c0_i32_0 : i32, i32, i32
  }
  func.func @transform_2(%arg0: i32) -> (i32, i32) {
    %c0_i32 = arith.constant 0 : i32
    %c0_i32_0 = arith.constant 0 : i32
    return %arg0, %c0_i32 : i32, i32
  }
  func.func @transform_3(%arg0: i32) -> (i32, i32) {
    %c0_i32 = arith.constant 0 : i32
    %c0_i32_0 = arith.constant 0 : i32
    %c0_i32_1 = arith.constant 0 : i32
    return %c0_i32, %c0_i32_0 : i32, i32
  }
  func.func @transform_4(%arg0: i32) -> (i32, i32) {
    %c0_i32 = arith.constant 0 : i32
    %c0_i32_0 = arith.constant 0 : i32
    %c0_i32_1 = arith.constant 0 : i32
    return %c0_i32, %c0_i32_0 : i32, i32
  }
  func.func @transform_5(%arg0: i32) -> (i32, i32) {
    %c0_i32 = arith.constant 0 : i32
    %c0_i32_0 = arith.constant 0 : i32
    %c0_i32_1 = arith.constant 0 : i32
    return %c0_i32, %c0_i32_0 : i32, i32
  }
  func.func @transform_6(%arg0: i32) -> (i32, i32) {
    %c0_i32 = arith.constant 0 : i32
    %c0_i32_0 = arith.constant 0 : i32
    %c0_i32_1 = arith.constant 0 : i32
    return %c0_i32, %c0_i32_0 : i32, i32
  }
  func.func @transform_7(%arg0: i32) -> (i32, i32) {
    %c0_i32 = arith.constant 0 : i32
    %c0_i32_0 = arith.constant 0 : i32
    %c0_i32_1 = arith.constant 0 : i32
    return %c0_i32, %c0_i32_0 : i32, i32
  }
  func.func @transform_8(%arg0: i32) -> (i32, i32) {
    %c0_i32 = arith.constant 0 : i32
    %c0_i32_0 = arith.constant 0 : i32
    return %arg0, %c0_i32 : i32, i32
  }
}

</mosaic_0001>

<sc_bundles>
// kernel: kernel.6.cloned.1.call-start
scs
__scs_entry_jumppad:
0x0: {  	(pc) =	sbr.rel $0x88, $3  }
0x1: {  	(tag) =	ssettag $0x0;
	lr =	simm.s32 $0x1  }
0x2: {  	[smem:$0x3F97] =	sst lr;
	_ =	strace $0xD0000000  }
0x3: {  	_ = 	snop  }
0x4: {  	_ = 	snop  }
0x5: {  	_ = 	snop  }
0x6: {  	_ = 	snop  }
0x7: {  	_ = 	snop  }
__scs_overlays_trampoline_lowered:
0x8: {  	[smem:$0x3FA6] =	sst s0  }
0x9: {  	[smem:$0x3FA7] =	sst s1  }
0xa: {  	[smem:$0x3FA8] =	sst s2  }
0xb: {  	[smem:$0x3FA9] =	sst s3  }
0xc: {  	[smem:$0x3FAA] =	sst s4  }
0xd: {  	[smem:$0x3FAB] =	sst s5  }
0xe: {  	[smem:$0x3FAC] =	sst s6  }
0xf: {  	[smem:$0x3FAD] =	sst s7  }
0x10: {  	[smem:$0x3FAE] =	sst s8  }
0x11: {  	[smem:$0x3FAF] =	sst s9;
	s0 =	simm.s32 @!p0 $0x0  }
0x12: {  	s1 =	sld [smem:$0x3F95];
	s0 =	simm.s32 @p0 $0x1  }
0x13: {  	[smem:$0x3FB0] =	sst s0;
	s0 =	simm.s32 @!p1 $0x0  }
0x14: {  	s2 =	sld [smem:$0x3F94];
	s0 =	simm.s32 @p1 $0x1  }
0x15: {  	[smem:$0x3FB1] =	sst s0;
	s0 =	simm.s32 @!p2 $0x0  }
0x16: {  	s3 =	sld [smem:$0x3FDB];
	s0 =	simm.s32 @p2 $0x1  }
0x17: {  	s4 =	simm.s32 $0x1BF5;
	[smem:$0x3FB3] =	sst s0  }
0x18: {  	s0 =	sld [smem:$0x3F96];
	_ =	swait.ge [sflag:s4], $0x0  }
0x19: {  	s7 =	sld [smem:$0x3F97]  }
0x1a: {  	s8 =	sadd.s32 $0xFFFFE003, lr  }
0x1b: {  	s9 =	sadd.s32 $0xFFFFFEF7, lr;
	s5 =	simm.s32 $0xFFFFFFFF;
	p2 =	slt.u32 s8, $0xFFFFF086  }
0x1c: {  	p1 =	slt.u32 s9, $0xF7A;
	s5 =	simm.s32 @!p2 $0x0  }
0x1d: {  	s5 =	simm.s32 @p1 $0x1;
	p0 =	seq.s32 s7, s2  }
0x1e: {  	s7 =	smul.u32 @!p0 $0xF7A, s2;
	p2 =	seq.s32 @!p0 s5, $0x0  }
0x1f: {  	s9 =	smul.u32 $0xF7A, s1;
	s8 =	simm.s32 @!p0 $0x1BF5;
	p2 =	por !p2, p0  }
0x20: {  	[sflag:s8] =	ssyncset.s32 @!p0 $0xFFFFF086;
	s6 =	sadd.s32 @!p0 s3, s7;
	s7 =	simm.s32 @!p0 $0x108  }
0x21: {  	s3 =	sadd.s32 s3, s9;
	s6 =	sadd.s32 @!p0 $0x88, s6;
	s7 =	simm.s32 @p2 $0x1082  }
0x22: {  	[simem:s7], [sflag:s8] =	dma.local @!p0 [hbm:s6], $0xF7A  }
0x23: {  	s9 =	sor.u32 $0xD0000000, s2;
	s6 =	simm.s32 $0x108;
	_ =	swait.ge @!p0 [sflag:s8], $0x0  }
0x24: {  	s3 =	sadd.s32 $0x88, s3;
	s6 =	simm.s32 @!p1 $0x1082;
	[sflag:s4] =	ssyncset.s32 $0xFFFFF086  }
0x25: {  	[simem:s6], [sflag:s4] =	dma.local [hbm:s3], $0xF7A  }
0x26: {  	[smem:$0x3F97] =	sst s1;
	(tag) =	ssettag s2;
	_ =	strace s9  }
0x27: {  	s1 =	sld [smem:$0x3FA7]  }
0x28: {  	s2 =	sld [smem:$0x3FA8]  }
0x29: {  	s4 =	sld [smem:$0x3FAA]  }
0x2a: {  	p0 =	seq.s32 s5, $0x0;
	s5 =	sld [smem:$0x3FAB]  }
0x2b: {  	s6 =	sld [smem:$0x3FAC]  }
0x2c: {  	s7 =	sld [smem:$0x3FAD]  }
0x2d: {  	s3 =	simm.s32 $0x108;
	s8 =	sld [smem:$0x3FAE]  }
0x2e: {  	s3 =	simm.s32 @!p0 $0x1082;
	s9 =	sld [smem:$0x3FAF]  }
0x2f: {  	lr =	sadd.s32 s0, s3;
	s0 =	sld [smem:$0x3FA6]  }
0x30: {  	s3 =	sld [smem:$0x3FA9]  }
0x31: {  	[smem:$0x3FB2] =	sst s10  }
0x32: {  	s10 =	sld [smem:$0x3FB0];
	_ =	sdelay $0x3  }
0x33: {  	p0 =	seq.s32 s10, $0x1;
	s10 =	sld [smem:$0x3FB2];
	_ =	sdelay $0x3  }
0x34: {  	[smem:$0x3FB2] =	sst s10  }
0x35: {  	s10 =	sld [smem:$0x3FB1];
	_ =	sdelay $0x3  }
0x36: {  	p1 =	seq.s32 s10, $0x1;
	s10 =	sld [smem:$0x3FB2];
	_ =	sdelay $0x3  }
0x37: {  	[smem:$0x3FB2] =	sst s10  }
0x38: {  	s10 =	sld [smem:$0x3FB3]  }
0x39: {  	_ = 	snop;
	(pc) =	sbr.ind lr, $3  }
0x3a: {  	_ = 	snop  }
0x3b: {  	_ = 	snop  }
0x3c: {  	p2 =	seq.s32 s10, $0x1;
	s10 =	sld [smem:$0x3FB2]  }
0x3d: {  	_ =	shalt  }
0x3e: {  	_ =	shalt  }
0x3f: {  	_ =	shalt  }
0x40: {  	_ =	shalt  }
0x41: {  	_ =	shalt  }
0x42: {  	_ =	shalt  }
0x43: {  	_ =	shalt  }
0x44: {  	_ =	shalt  }
0x45: {  	_ =	shalt  }
0x46: {  	_ =	shalt  }
0x47: {  	_ =	shalt  }
0x48: {  	_ =	shalt  }
0x49: {  	_ =	shalt  }
0x4a: {  	_ =	shalt  }
0x4b: {  	_ =	shalt  }
0x4c: {  	_ =	shalt  }
0x4d: {  	_ =	shalt  }
0x4e: {  	_ =	shalt  }
0x4f: {  	_ =	shalt  }
0x50: {  	_ =	shalt  }
0x51: {  	_ =	shalt  }
0x52: {  	_ =	shalt  }
0x53: {  	_ =	shalt  }
0x54: {  	_ =	shalt  }
0x55: {  	_ =	shalt  }
0x56: {  	_ =	shalt  }
0x57: {  	_ =	shalt  }
0x58: {  	_ =	shalt  }
0x59: {  	_ =	shalt  }
0x5a: {  	_ =	shalt  }
0x5b: {  	_ =	shalt  }
0x5c: {  	_ =	shalt  }
0x5d: {  	_ =	shalt  }
0x5e: {  	_ =	shalt  }
0x5f: {  	_ =	shalt  }
0x60: {  	_ =	shalt  }
0x61: {  	_ =	shalt  }
0x62: {  	_ =	shalt  }
0x63: {  	_ =	shalt  }
0x64: {  	_ =	shalt  }
0x65: {  	_ =	shalt  }
0x66: {  	_ =	shalt  }
0x67: {  	_ =	shalt  }
0x68: {  	_ =	shalt  }
0x69: {  	_ =	shalt  }
0x6a: {  	_ =	shalt  }
0x6b: {  	_ =	shalt  }
0x6c: {  	_ =	shalt  }
0x6d: {  	_ =	shalt  }
0x6e: {  	_ =	shalt  }
0x6f: {  	_ =	shalt  }
0x70: {  	_ =	shalt  }
0x71: {  	_ =	shalt  }
0x72: {  	_ =	shalt  }
0x73: {  	_ =	shalt  }
0x74: {  	_ =	shalt  }
0x75: {  	_ =	shalt  }
0x76: {  	_ =	shalt  }
0x77: {  	_ =	shalt  }
0x78: {  	_ =	shalt  }
0x79: {  	_ =	shalt  }
0x7a: {  	_ =	shalt  }
0x7b: {  	_ =	shalt  }
0x7c: {  	_ =	shalt  }
0x7d: {  	_ =	shalt  }
0x7e: {  	_ =	shalt  }
0x7f: {  	_ =	shalt  }
0x80: {  	_ =	shalt  }
0x81: {  	_ =	shalt  }
0x82: {  	_ =	shalt  }
0x83: {  	_ =	shalt  }
0x84: {  	_ =	shalt  }
0x85: {  	_ =	shalt  }
0x86: {  	_ =	shalt  }
0x87: {  	_ =	shalt  }
.Lfunc_end0:
.L_simem_size_0:
called_computation_lowered:
.L_overlay_start_0:
0x88: {  	s2 =	sld [smem:$0x3FD9]  }
0x89: {  	s3 =	sld [smem:$0x3FFE];
	_ =	sdelay $0x1  }
0x8a: {  	s1 =	srdreg.scid  }
0x8b: {  	s0 =	sand.u32 $0x1, s1  }
0x8c: {  	s17 =	sshll.u32 s0, $0xA;
	s2 =	sadd.s32 s3, s2  }
0x8d: {  	s2 =	sadd.s32 s2, s17  }
0x8e: {  	[smem:$0x3FBE] =	sst s2  }
0x8f: {  	_ = 	snop  }
0x90: {  	s2 =	sld [smem:$0x3FC9];
	(tm) =	ssettm $0x1  }
0x91: {  	s18 =	sld [smem:$0x3FFB];
	_ =	sdelay $0x3  }
0x92: {  	_ =	strace s18  }
0x93: {  	s3 =	sld [smem:$0x3FFC];
	_ =	sdelay $0x3  }
0x94: {  	_ =	strace s3  }
0x95: {  	s3 =	sld [smem:$0x3FFD];
	_ =	sdelay $0x3  }
0x96: {  	_ =	strace s3  }
0x97: {  	_ =	strace $0x8FFFFFFF  }
0x98: {  	s19 =	sld [smem:$0x3FDB];
	_ =	sdelay $0x1  }
0x99: {  	s4 =	simm.s32 $_scs_section_size  }
0x9a: {  	s5 =	simm.s32 $_size__tile_overlayer_lowered;
	s6 =	simm.s32 $_tile_overlayer_lowered  }
0x9b: {  	s22 =	simm.s32 $0x1BFF;
	s21 =	sshll.u32 s6, $0x1;
	s3 =	sadd.s32 s4, s19  }
0x9c: {  	s7 =	simm.s32 $0x0;
	s20 =	sshll.u32 s5, $0x1;
	s5 =	sadd.s32 s21, s3  }
0x9d: {  	[timem:s7], [sflag:s22] =	dma.local [hbm:s5], s20  }
0x9e: {  	_ =	swait.ge [sflag:s22], s20  }
0x9f: {  	s4 =	ssub.s32 $0x0, s20;
	[sflag:s22] =	ssyncset.done $0x0  }
0xa0: {  	[sflag:s22] =	ssyncadd.s32 s4;
	_ =	sdelay $0x1  }
0xa1: {  	s23 =	simm.s32 $0x1B8B  }
0xa2: {  	_ =	swait.ge [sflag:s23], $0x1  }
0xa3: {  	[sflag:s23] =	ssyncset.done $0x0  }
0xa4: {  	s25 =	simm.s32 $0x1B8E;
	s24 =	sld [smem:$0x3FFE];
	[sflag:s23] =	ssyncadd.s32 $0xFFFFFFFF  }
0xa5: {  	s26 =	simm.s32 $execute0_lowered;
	[smem:$0x3FD2] =	sst s25  }
0xa6: {  	s5 =	sshll.u32 s26, $0x1;
	_ =	strace $0x80000046;
	[dreg:$0x1] =	wrdreg $0xFFFFFFFF  }
0xa7: {  	s28 =	simm.s32 $_size_execute0_lowered;
	s3 =	sadd.s32 s3, s5;
	[dreg:$0x0] =	wrdreg $0x0  }
0xa8: {  	s5 =	sshll.u32 s28, $0x1;
	[dreg:$0x2] =	wrdreg s3  }
0xa9: {  	[dreg:$0x3] =	wrdreg s5  }
0xaa: {  	[dreg:$0x4] =	wrdreg $0xC0  }
0xab: {  	_ =	task [dreg:s7], $0x5FFFF  }
0xac: {  	[dreg:$0x1] =	wrdreg $0xFFFFFFFF  }
0xad: {  	[dreg:$0x0] =	wrdreg $0x60  }
0xae: {  	[dreg:$0x2] =	wrdreg s2  }
0xaf: {  	[dreg:$0x3] =	wrdreg s24  }
0xb0: {  	[dreg:$0x4] =	wrdreg $0xA0800  }
0xb1: {  	[dreg:$0x5] =	wrdreg $0x1E0800  }
0xb2: {  	[dreg:$0x6] =	wrdreg $0x9  }
0xb3: {  	_ =	task.clear_ibuf [dreg:s7], $0x7FFFF;
	_ =	strace $0x90000046  }
0xb4: {  	s29 =	simm.s32 $0x9;
	_ =	strace $0x80000048  }
0xb5: {  	_ =	swait.ge [sflag:s29], $0x1  }
0xb6: {  	[sflag:s29] =	ssyncadd.s32 $0xFFFFFFFF  }
0xb7: {  	_ =	strace $0x90000048  }
0xb8: {  	_ =	sfence  }
0xb9: {  	s30 =	sld [smem:$0x0];
	_ =	sdelay $0x2  }
0xba: {  	s31 =	sshll.u32 s1, $0xD;
	s1 =	sshrl.u32 s1, $0x2  }
0xbb: {  	s3 =	sand.u32 $0x4000, s31;
	s1 =	sadd.s32 s1, s30  }
0xbc: {  	s0 =	sor.u32 s3, s0;
	s1 =	sshll.u32 s1, $0x11  }
0xbd: {  	s0 =	sor.u32 s1, s0  }
0xbe: {  	s0 =	sadd.s32 $0x8F2B, s0  }
0xbf: {  	[sflag:s0] =	ssyncadd.remote.s32 $0x1  }
0xc0: {  	_ =	sfence.sel $0xFFFF  }
0xc1: {  	[dreg:$0x0] =	wrdreg $0xFFFFFFFF;
	(pc) =	sbr.abs _section_cstart, $3  }
0xc2: {  	[dreg:$0x1] =	wrdreg $0xFFFFFFFF  }
0xc3: {  	_ =	task.clear_ibuf [dreg:s7], $0x2FFFF;
	_ =	strace $0x9FFFFFFF  }
0xc4: {  	(tm) =	ssettm $0x7FFFFFFF  }
0xc5: {  	_ =	shalt  }
tec
execute0_lowered:
.L_overlay_start_1:
0x0: {  	(tag) =	ssettag $0x1  }
0x1: {  	s1 =	rddreg [dreg:$0x0]  }
0x2: {  	s0 =	rddreg [dreg:$0x1]  }
0x3: {  	s3 =	rddreg [dreg:$0x2];
	s10 =	stileid.u32  }
0x4: {  	s4 =	rddreg [dreg:$0x3];
	s6 =	smul.u32 $0x600, s10  }
0x5: {  	s2 =	srdreg.scid;
	s8 =	smul.u32 $0x14000, s10  }
0x6: {  	s5 =	simm.s32 $0x0;
	s28 =	simm.s32 $0xA000;
	s9 =	smul.u32 $0x500, s10  }
0x7: {  	s31 =	simm.s32 $0x0;
	s2 =	sand.u32 $0x1, s2;
	s11 =	smul.u32 $0x280, s10  }
0x8: {  	[smem:$0x7FF] =	sst s5;
	s17 =	sshll.u32 s10, $0xA;
	s22 =	smul.u32 $0x50000, s10  }
0x9: {  	s7 =	smul.u32 $0x140000, s2;
	_ =	strace $0x80000047;
	s17 =	sadd.s32 s17, s0  }
0xa: {  	s20 =	sshll.u32 s2, $0x7;
	s23 =	ssub.s32 $0x2, s2;
	p0 =	sne.s32 s2, $0x0  }
0xb: {  	s19 =	sadd.s32 s6, s0;
	s12 =	sadd.s32 $0x80, s11;
	s24 =	sshrl.u32 s23, $0x1  }
0xc: {  	s13 =	sadd.s32 $0x100, s11;
	s14 =	sadd.s32 $0x180, s11;
	s15 =	sadd.s32 $0x200, s11  }
0xd: {  	s11 =	sadd.s32 s11, s4;
	s16 =	sadd.s32 $0x11C00, s17;
	s17 =	sadd.s32 $0xDC00, s17  }
0xe: {  	s18 =	sadd.s32 s8, s7;
	s7 =	sor.u32 s20, s9;
	s25 =	sshll.u32 s12, $0x7  }
0xf: {  	s26 =	sshll.u32 s13, $0x7;
	s29 =	sshll.u32 s14, $0x7;
	s30 =	sshll.u32 s15, $0x7  }
0x10: {  	s12 =	sadd.s32 s12, s4;
	s13 =	sadd.s32 s13, s4;
	s14 =	sadd.s32 s14, s4  }
0x11: {  	s15 =	sadd.s32 s15, s4;
	s6 =	sshrl.u32 s18, $0x3;
	s21 =	sshrl.u32 s7, $0x3  }
0x12: {  	s7 =	sshrl.u32 s22, $0x2;
	s22 =	ssub.s32 s23, s24;
	s8 =	sadd.s32 s26, s3  }
0x13: {  	s9 =	sadd.s32 s29, s3;
	s10 =	sadd.s32 s30, s3;
	s18 =	sadd.s32 $0x7C00, s19  }
0x14: {  	s19 =	sadd.s32 $0x1C00, s19;
	s23 =	simm.s32 $0x6000;
	s24 =	simm.s32 $0x2  }
0x15: {  	s26 =	simm.s32 $0x1;
	s20 =	sadd.s32 s6, s0;
	s0 =	sadd.s32 s21, s0  }
0x16: {  	s6 =	sadd.s32 s7, s3;
	s7 =	sadd.s32 s25, s3;
	s22 =	smax.u32 s22, $0x1  }
0x17: {  	v0 =	vimm.f32 $0.0e+00;
	v1 =	vimm.f32 $1.000000000e+00;
	s25 =	simm.s32 $0x80;
	s20 =	sadd.s32 $0x16600, s20;
	s21 =	sadd.s32 $0x15C00, s0  }
.LBB2_1:
0x18: {  	s0 =	sand.u32 $0xFE00, s5  }
0x19: {  	s2 =	sand.u32 $0x70, s5;
	s29 =	sshrl.u32 s0, $0x2  }
0x1a: {  	s0 =	simm.s32 $0x40;
	s29 =	sor.u32 s2, s29;
	s2 =	simm.s32 $0x0  }
.LBB2_2:
0x1b: {  	p1 =	sne.s32 s0, $0xFFC0  }
0x1c: {  	[tilespmem:s29+$0x6000] =	vst v0;
	s2 =	sadd.s32 $0x10, s2;
	s29 =	smov.u32 s0;
	s0 =	sadd.s32 $0x40, s0  }
.Ltmp0:
0x1d: {  	(pc) =	sbr.rel @p1 .LBB2_2-.Ltmp0, $4  }
0x1e: {  	_ = 	snop  }
0x1f: {  	s29 =	sand.u32 $0xFE00, s29  }
0x20: {  	s30 =	sand.u32 $0x70, s2;
	s29 =	sshrl.u32 s29, $0x2  }
0x21: {  	s29 =	sor.u32 s30, s29  }
0x22: {  	[tilespmem:s29+$0x6000] =	vst v0  }
0x23: {  	[tilespmem:$0xA000] =	vst v1  }
0x24: {  	[tilespmem:$0xA010] =	vst v1  }
0x25: {  	[tilespmem:$0xA020] =	vst v1  }
0x26: {  	[tilespmem:$0xA030] =	vst v1  }
0x27: {  	[tilespmem:$0xA040] =	vst v1  }
0x28: {  	[tilespmem:$0xA050] =	vst v1  }
0x29: {  	[tilespmem:$0xA060] =	vst v1  }
0x2a: {  	[tilespmem:$0xA070] =	vst v1  }
0x2b: {  	[spmem:s6] =	stream.linear.scatter [tilespmem:s23], [sflag:$0x2], $0x4000, $0x38;
	[tilespmem:$0x1E300] =	vst v63  }
0x2c: {  	_ =	swait.ge [sflag:s24], $0x4000  }
0x2d: {  	[sflag:s24] =	ssyncset.done $0x0  }
0x2e: {  	[sflag:s24] =	ssyncadd.s32 $0xFFFFC000  }
0x2f: {  	[spmem:s7] =	stream.linear.scatter [tilespmem:s23], [sflag:$0x2], $0x4000, $0x38;
	[tilespmem:$0x1E300] =	vst v63  }
0x30: {  	_ =	swait.ge [sflag:s24], $0x4000  }
0x31: {  	[sflag:s24] =	ssyncset.done $0x0  }
0x32: {  	[sflag:s24] =	ssyncadd.s32 $0xFFFFC000  }
0x33: {  	[spmem:s8] =	stream.linear.scatter [tilespmem:s23], [sflag:$0x2], $0x4000, $0x38;
	[tilespmem:$0x1E300] =	vst v63  }
0x34: {  	_ =	swait.ge [sflag:s24], $0x4000  }
0x35: {  	[sflag:s24] =	ssyncset.done $0x0  }
0x36: {  	[sflag:s24] =	ssyncadd.s32 $0xFFFFC000  }
0x37: {  	[spmem:s9] =	stream.linear.scatter [tilespmem:s23], [sflag:$0x2], $0x4000, $0x38;
	[tilespmem:$0x1E300] =	vst v63  }
0x38: {  	_ =	swait.ge [sflag:s24], $0x4000  }
0x39: {  	[sflag:s24] =	ssyncset.done $0x0  }
0x3a: {  	[sflag:s24] =	ssyncadd.s32 $0xFFFFC000  }
0x3b: {  	[spmem:s10] =	stream.linear.scatter [tilespmem:s23], [sflag:$0x2], $0x4000, $0x38;
	[tilespmem:$0x1E300] =	vst v63  }
0x3c: {  	_ =	swait.ge [sflag:s24], $0x4000  }
0x3d: {  	[sflag:s24] =	ssyncset.done $0x0  }
0x3e: {  	[sflag:s24] =	ssyncadd.s32 $0xFFFFC000  }
0x3f: {  	[spmem:s11] =	stream.linear.scatter [tilespmem:s23], [sflag:$0x2], $0x80, $0x38;
	[tilespmem:$0x1E300] =	vst v63  }
0x40: {  	_ =	swait.ge [sflag:s24], $0x80  }
0x41: {  	[sflag:s24] =	ssyncset.done $0x0  }
0x42: {  	[sflag:s24] =	ssyncadd.s32 $0xFFFFFF80  }
0x43: {  	[spmem:s12] =	stream.linear.scatter [tilespmem:s23], [sflag:$0x2], $0x80, $0x38;
	[tilespmem:$0x1E300] =	vst v63  }
0x44: {  	_ =	swait.ge [sflag:s24], $0x80  }
0x45: {  	[sflag:s24] =	ssyncset.done $0x0  }
0x46: {  	[sflag:s24] =	ssyncadd.s32 $0xFFFFFF80  }
0x47: {  	[spmem:s13] =	stream.linear.scatter [tilespmem:s23], [sflag:$0x2], $0x80, $0x38;
	[tilespmem:$0x1E300] =	vst v63  }
0x48: {  	_ =	swait.ge [sflag:s24], $0x80  }
0x49: {  	[sflag:s24] =	ssyncset.done $0x0  }
0x4a: {  	[sflag:s24] =	ssyncadd.s32 $0xFFFFFF80  }
0x4b: {  	[spmem:s14] =	stream.linear.scatter [tilespmem:s23], [sflag:$0x2], $0x80, $0x38;
	[tilespmem:$0x1E300] =	vst v63  }
0x4c: {  	_ =	swait.ge [sflag:s24], $0x80  }
0x4d: {  	[sflag:s24] =	ssyncset.done $0x0  }
0x4e: {  	[sflag:s24] =	ssyncadd.s32 $0xFFFFFF80  }
0x4f: {  	[spmem:s15] =	stream.linear.scatter [tilespmem:s23], [sflag:$0x2], $0x80, $0x38;
	[tilespmem:$0x1E300] =	vst v63  }
0x50: {  	_ =	swait.ge [sflag:s24], $0x80  }
0x51: {  	[sflag:s24] =	ssyncset.done $0x0  }
0x52: {  	[sflag:s24] =	ssyncadd.s32 $0xFFFFFF80  }
0x53: {  	s0 =	simm.s32 @p0 $0x0;
	s2 =	simm.s32 @p0 $0x2;
	[bflag:$0x0] =	sbarrier.arrive $0xFFFF  }
0x54: {  	[tilespmem:s0], [sflag:$0x2] =	stream.linear.gather @p0 [hbm4b:s16+s0], $0x1F80, $0x38;
	[tilespmem:$0x1E300] =	vst v63  }
0x55: {  	_ =	swait.ge @p0 [sflag:s2], $0x1F80  }
0x56: {  	[sflag:s2] =	ssyncset.done @p0 $0x0  }
0x57: {  	s29 =	simm.s32 @p0 $0x3000;
	[sflag:s2] =	ssyncadd.s32 @p0 $0xFFFFE080  }
0x58: {  	[tilespmem:s29], [sflag:$0x2] =	stream.linear.gather @p0 [hbm4b:s17+s0], $0x1F80, $0x38;
	[tilespmem:$0x1E300] =	vst v63  }
0x59: {  	_ =	swait.ge @p0 [sflag:s2], $0x1F80  }
0x5a: {  	[sflag:s2] =	ssyncset.done @p0 $0x0  }
0x5b: {  	s0 =	simm.s32 @!p0 $0x0;
	[sflag:s2] =	ssyncadd.s32 @p0 $0xFFFFE080;
	s2 =	simm.s32 @!p0 $0x2  }
0x5c: {  	[tilespmem:s0], [sflag:$0x2] =	stream.linear.gather @!p0 [hbm4b:s18+s0], $0x2F00, $0x38;
	[tilespmem:$0x1E300] =	vst v63  }
0x5d: {  	_ =	swait.ge @!p0 [sflag:s2], $0x2F00  }
0x5e: {  	[sflag:s2] =	ssyncset.done @!p0 $0x0  }
0x5f: {  	s29 =	simm.s32 @!p0 $0x3000;
	[sflag:s2] =	ssyncadd.s32 @!p0 $0xFFFFD100  }
0x60: {  	[tilespmem:s29], [sflag:$0x2] =	stream.linear.gather @!p0 [hbm4b:s19+s0], $0x2F00, $0x38;
	[tilespmem:$0x1E300] =	vst v63  }
0x61: {  	_ =	swait.ge @!p0 [sflag:s2], $0x2F00  }
0x62: {  	[sflag:s2] =	ssyncset.done @!p0 $0x0  }
0x63: {  	s0 =	simm.s32 $0x0;
	[sflag:s2] =	ssyncadd.s32 @!p0 $0xFFFFD100  }
0x64: {  	[tilespmem:s23], [sflag:$0x1] =	stream.indirect.gather [hbm4b:s1+s25], $0x80, s0, s25, $0xb8;
	[tilespmem:$0x1E300] =	vst v63  }
0x65: {  	_ =	swait.ge [sflag:s26], $0x4000  }
0x66: {  	s29 =	simm.s32 @!p0 $0x5E;
	[sflag:s26] =	ssyncset.done $0x0  }
0x67: {  	s29 =	simm.s32 @p0 $0x3F;
	s2 =	simm.s32 $0x3000;
	[sflag:s26] =	ssyncadd.s32 $0xFFFFC000  }
0x68: {  	[spmem:s3] =	stream.indirect.scatter.add.f32 [tilespmem:s23], [sflag:$0x2], $0x80, s2, s25, $0xb8;
	[tilespmem:$0x1E300] =	vst v63  }
0x69: {  	p1 =	sne.s32 s29, $0x1;
	_ =	swait.ge [sflag:s24], $0x4000  }
.Ltmp1:
0x6a: {  	[sflag:s24] =	ssyncset.done $0x0;
	(pc) =	sbr.rel @!p1 .LBB2_5-.Ltmp1, $4  }
0x6b: {  	[sflag:s24] =	ssyncadd.s32 $0xFFFFC000  }
0x6c: {  	[spmem:s4] =	stream.indirect.scatter.add.f32 [tilespmem:s28], [sflag:$0x2], $0x1, s2, s25, $0xb8;
	[tilespmem:$0x1E300] =	vst v63  }
0x6d: {  	_ =	swait.ge [sflag:s24], $0x80  }
0x6e: {  	s29 =	sadd.s32 $0xFFFFFFFF, s29;
	[sflag:s24] =	ssyncset.done $0x0  }
.LBB2_4:
0x6f: {  	[sflag:s24] =	ssyncadd.s32 $0xFFFFFF80;
	s0 =	sadd.s32 $0x80, s0;
	s2 =	sadd.s32 $0x80, s2  }
0x70: {  	[tilespmem:s23], [sflag:$0x1] =	stream.indirect.gather [hbm4b:s1+s25], $0x80, s0, s25, $0xb8;
	[tilespmem:$0x1E300] =	vst v63  }
0x71: {  	p1 =	sne.s32 s29, $0x1;
	s29 =	sadd.s32 $0xFFFFFFFF, s29;
	_ =	swait.ge [sflag:s26], $0x4000  }
0x72: {  	[sflag:s26] =	ssyncset.done $0x0  }
0x73: {  	[sflag:s26] =	ssyncadd.s32 $0xFFFFC000  }
0x74: {  	[spmem:s3] =	stream.indirect.scatter.add.f32 [tilespmem:s23], [sflag:$0x2], $0x80, s2, s25, $0xb8;
	[tilespmem:$0x1E300] =	vst v63  }
0x75: {  	_ =	swait.ge [sflag:s24], $0x4000  }
.Ltmp2:
0x76: {  	[sflag:s24] =	ssyncset.done $0x0;
	(pc) =	sbr.rel @p1 .LBB2_4-.Ltmp2, $4  }
0x77: {  	[sflag:s24] =	ssyncadd.s32 $0xFFFFC000  }
0x78: {  	[spmem:s4] =	stream.indirect.scatter.add.f32 [tilespmem:s28], [sflag:$0x2], $0x1, s2, s25, $0xb8;
	[tilespmem:$0x1E300] =	vst v63  }
0x79: {  	_ =	swait.ge [sflag:s24], $0x80  }
0x7a: {  	[sflag:s24] =	ssyncset.done $0x0  }
.LBB2_5:
0x7b: {  	s0 =	stileid.u32  }
0x7c: {  	[sflag:s24] =	ssyncadd.s32 $0xFFFFFF80;
	s0 =	sshll.u32 s0, $0x6  }
0x7d: {  	s2 =	sshrl.u32 s6, $0x3;
	[bflag:$0x0] =	sbarrier.arrive $0xFFFF;
	s0 =	sor.u32 $0x1C02, s0  }
0x7e: {  	[hbm:s20], [sflag:s0] =	dma.local [spmem:s2], $0x2800  }
0x7f: {  	s29 =	simm.s32 $0x20;
	s31 =	sadd.s32 $0x1, s31;
	_ =	swait.ge [sflag:s24], $0x2800  }
0x80: {  	s30 =	simm.s32 $0x10;
	p1 =	sne.s32 s31, s22;
	[sflag:s24] =	ssyncset.done $0x0  }
.Ltmp3:
0x81: {  	s2 =	sshrl.u32 s11, $0x3;
	[sflag:s24] =	ssyncadd.s32 $0xFFFFD800;
	(pc) =	sbr.rel @p1 .LBB2_1-.Ltmp3, $4  }
0x82: {  	[hbm:s21@s29], [sflag:s0] =	dma.strided [spmem:s2@s30], $0x50, s26, $0x10   }
0x83: {  	_ =	swait.ge [sflag:s24], $0x50  }
0x84: {  	[sflag:s24] =	ssyncset.done $0x0  }
0x85: {  	[sflag:s24] =	ssyncadd.s32 $0xFFFFFFB0  }
0x86: {  	_ =	sfence.sel $0x180000  }
0x87: {  	[bflag:$0x0] =	sbarrier.arrive $0xFFFF  }
0x88: {  	_ =	strace $0x90000047  }
0x89: {  	s0 =	stileid.u32;
	[bflag:$0x2] =	sbarrier.arrive $0xFFFF  }
0x8a: {  	p0 =	sne.s32 s0, $0x0;
	s0 =	rddreg [dreg:$0x4]  }
0x8b: {  	s0 =	sadd.s32 @!p0 $0x100000, s0  }
0x8c: {  	[sflag:s0] =	ssyncadd.tile.s32 @!p0 $0x1;
	_ =	shalt  }
.Lfunc_end2:
_tile_overlayer_lowered:
.L_overlay_start_2:
0x8d: {  	(tag) =	ssettag $0x2  }
0x8e: {  	s0 =	rddreg [dreg:$0x0];
	s2 =	stileid.u32  }
0x8f: {  	s1 =	rddreg [dreg:$0x1];
	p0 =	sne.s32 s2, $0x0  }
0x90: {  	s3 =	rddreg [dreg:$0x2];
	[bflag:$0x3] =	sbarrier.arrive $0xFFFF;
	s2 =	simm.s32 @!p0 $0x1C02  }
0x91: {  	[timem:s3], [sflag:s2] =	dma.local @!p0 [hbm:s0], s1  }
0x92: {  	s0 =	simm.s32 @!p0 $0x2  }
0x93: {  	_ =	swait.ge @!p0 [sflag:s0], s1  }
0x94: {  	s1 =	ssub.s32 @!p0 $0x0, s1;
	[sflag:s0] =	ssyncset.done @!p0 $0x0  }
0x95: {  	[sflag:s0] =	ssyncadd.s32 @!p0 s1  }
0x96: {  	[bflag:$0x3] =	sbarrier.arrive $0xFFFF  }
0x97: {  	_ =	shalt  }

// kernel: kernel.9.cloned.1.call-start
scs
__scs_entry_jumppad:
0x0: {  	(pc) =	sbr.rel $0x88, $3  }
0x1: {  	(tag) =	ssettag $0x0;
	lr =	simm.s32 $0x1  }
0x2: {  	[smem:$0x3F97] =	sst lr;
	_ =	strace $0xD0000000  }
0x3: {  	_ = 	snop  }
0x4: {  	_ = 	snop  }
0x5: {  	_ = 	snop  }
0x6: {  	_ = 	snop  }
0x7: {  	_ = 	snop  }
__scs_overlays_trampoline_lowered:
0x8: {  	[smem:$0x3FA6] =	sst s0  }
0x9: {  	[smem:$0x3FA7] =	sst s1  }
0xa: {  	[smem:$0x3FA8] =	sst s2  }
0xb: {  	[smem:$0x3FA9] =	sst s3  }
0xc: {  	[smem:$0x3FAA] =	sst s4  }
0xd: {  	[smem:$0x3FAB] =	sst s5  }
0xe: {  	[smem:$0x3FAC] =	sst s6  }
0xf: {  	[smem:$0x3FAD] =	sst s7  }
0x10: {  	[smem:$0x3FAE] =	sst s8  }
0x11: {  	[smem:$0x3FAF] =	sst s9;
	s0 =	simm.s32 @!p0 $0x0  }
0x12: {  	s1 =	sld [smem:$0x3F95];
	s0 =	simm.s32 @p0 $0x1  }
0x13: {  	[smem:$0x3FB0] =	sst s0;
	s0 =	simm.s32 @!p1 $0x0  }
0x14: {  	s2 =	sld [smem:$0x3F94];
	s0 =	simm.s32 @p1 $0x1  }
0x15: {  	[smem:$0x3FB1] =	sst s0;
	s0 =	simm.s32 @!p2 $0x0  }
0x16: {  	s3 =	sld [smem:$0x3FDB];
	s0 =	simm.s32 @p2 $0x1  }
0x17: {  	s4 =	simm.s32 $0x1BF5;
	[smem:$0x3FB3] =	sst s0  }
0x18: {  	s0 =	sld [smem:$0x3F96];
	_ =	swait.ge [sflag:s4], $0x0  }
0x19: {  	s7 =	sld [smem:$0x3F97]  }
0x1a: {  	s8 =	sadd.s32 $0xFFFFE003, lr  }
0x1b: {  	s9 =	sadd.s32 $0xFFFFFEF7, lr;
	s5 =	simm.s32 $0xFFFFFFFF;
	p2 =	slt.u32 s8, $0xFFFFF086  }
0x1c: {  	p1 =	slt.u32 s9, $0xF7A;
	s5 =	simm.s32 @!p2 $0x0  }
0x1d: {  	s5 =	simm.s32 @p1 $0x1;
	p0 =	seq.s32 s7, s2  }
0x1e: {  	s7 =	smul.u32 @!p0 $0xF7A, s2;
	p2 =	seq.s32 @!p0 s5, $0x0  }
0x1f: {  	s9 =	smul.u32 $0xF7A, s1;
	s8 =	simm.s32 @!p0 $0x1BF5;
	p2 =	por !p2, p0  }
0x20: {  	[sflag:s8] =	ssyncset.s32 @!p0 $0xFFFFF086;
	s6 =	sadd.s32 @!p0 s3, s7;
	s7 =	simm.s32 @!p0 $0x108  }
0x21: {  	s3 =	sadd.s32 s3, s9;
	s6 =	sadd.s32 @!p0 $0x88, s6;
	s7 =	simm.s32 @p2 $0x1082  }
0x22: {  	[simem:s7], [sflag:s8] =	dma.local @!p0 [hbm:s6], $0xF7A  }
0x23: {  	s9 =	sor.u32 $0xD0000000, s2;
	s6 =	simm.s32 $0x108;
	_ =	swait.ge @!p0 [sflag:s8], $0x0  }
0x24: {  	s3 =	sadd.s32 $0x88, s3;
	s6 =	simm.s32 @!p1 $0x1082;
	[sflag:s4] =	ssyncset.s32 $0xFFFFF086  }
0x25: {  	[simem:s6], [sflag:s4] =	dma.local [hbm:s3], $0xF7A  }
0x26: {  	[smem:$0x3F97] =	sst s1;
	(tag) =	ssettag s2;
	_ =	strace s9  }
0x27: {  	s1 =	sld [smem:$0x3FA7]  }
0x28: {  	s2 =	sld [smem:$0x3FA8]  }
0x29: {  	s4 =	sld [smem:$0x3FAA]  }
0x2a: {  	p0 =	seq.s32 s5, $0x0;
	s5 =	sld [smem:$0x3FAB]  }
0x2b: {  	s6 =	sld [smem:$0x3FAC]  }
0x2c: {  	s7 =	sld [smem:$0x3FAD]  }
0x2d: {  	s3 =	simm.s32 $0x108;
	s8 =	sld [smem:$0x3FAE]  }
0x2e: {  	s3 =	simm.s32 @!p0 $0x1082;
	s9 =	sld [smem:$0x3FAF]  }
0x2f: {  	lr =	sadd.s32 s0, s3;
	s0 =	sld [smem:$0x3FA6]  }
0x30: {  	s3 =	sld [smem:$0x3FA9]  }
0x31: {  	[smem:$0x3FB2] =	sst s10  }
0x32: {  	s10 =	sld [smem:$0x3FB0];
	_ =	sdelay $0x3  }
0x33: {  	p0 =	seq.s32 s10, $0x1;
	s10 =	sld [smem:$0x3FB2];
	_ =	sdelay $0x3  }
0x34: {  	[smem:$0x3FB2] =	sst s10  }
0x35: {  	s10 =	sld [smem:$0x3FB1];
	_ =	sdelay $0x3  }
0x36: {  	p1 =	seq.s32 s10, $0x1;
	s10 =	sld [smem:$0x3FB2];
	_ =	sdelay $0x3  }
0x37: {  	[smem:$0x3FB2] =	sst s10  }
0x38: {  	s10 =	sld [smem:$0x3FB3]  }
0x39: {  	_ = 	snop;
	(pc) =	sbr.ind lr, $3  }
0x3a: {  	_ = 	snop  }
0x3b: {  	_ = 	snop  }
0x3c: {  	p2 =	seq.s32 s10, $0x1;
	s10 =	sld [smem:$0x3FB2]  }
0x3d: {  	_ =	shalt  }
0x3e: {  	_ =	shalt  }
0x3f: {  	_ =	shalt  }
0x40: {  	_ =	shalt  }
0x41: {  	_ =	shalt  }
0x42: {  	_ =	shalt  }
0x43: {  	_ =	shalt  }
0x44: {  	_ =	shalt  }
0x45: {  	_ =	shalt  }
0x46: {  	_ =	shalt  }
0x47: {  	_ =	shalt  }
0x48: {  	_ =	shalt  }
0x49: {  	_ =	shalt  }
0x4a: {  	_ =	shalt  }
0x4b: {  	_ =	shalt  }
0x4c: {  	_ =	shalt  }
0x4d: {  	_ =	shalt  }
0x4e: {  	_ =	shalt  }
0x4f: {  	_ =	shalt  }
0x50: {  	_ =	shalt  }
0x51: {  	_ =	shalt  }
0x52: {  	_ =	shalt  }
0x53: {  	_ =	shalt  }
0x54: {  	_ =	shalt  }
0x55: {  	_ =	shalt  }
0x56: {  	_ =	shalt  }
0x57: {  	_ =	shalt  }
0x58: {  	_ =	shalt  }
0x59: {  	_ =	shalt  }
0x5a: {  	_ =	shalt  }
0x5b: {  	_ =	shalt  }
0x5c: {  	_ =	shalt  }
0x5d: {  	_ =	shalt  }
0x5e: {  	_ =	shalt  }
0x5f: {  	_ =	shalt  }
0x60: {  	_ =	shalt  }
0x61: {  	_ =	shalt  }
0x62: {  	_ =	shalt  }
0x63: {  	_ =	shalt  }
0x64: {  	_ =	shalt  }
0x65: {  	_ =	shalt  }
0x66: {  	_ =	shalt  }
0x67: {  	_ =	shalt  }
0x68: {  	_ =	shalt  }
0x69: {  	_ =	shalt  }
0x6a: {  	_ =	shalt  }
0x6b: {  	_ =	shalt  }
0x6c: {  	_ =	shalt  }
0x6d: {  	_ =	shalt  }
0x6e: {  	_ =	shalt  }
0x6f: {  	_ =	shalt  }
0x70: {  	_ =	shalt  }
0x71: {  	_ =	shalt  }
0x72: {  	_ =	shalt  }
0x73: {  	_ =	shalt  }
0x74: {  	_ =	shalt  }
0x75: {  	_ =	shalt  }
0x76: {  	_ =	shalt  }
0x77: {  	_ =	shalt  }
0x78: {  	_ =	shalt  }
0x79: {  	_ =	shalt  }
0x7a: {  	_ =	shalt  }
0x7b: {  	_ =	shalt  }
0x7c: {  	_ =	shalt  }
0x7d: {  	_ =	shalt  }
0x7e: {  	_ =	shalt  }
0x7f: {  	_ =	shalt  }
0x80: {  	_ =	shalt  }
0x81: {  	_ =	shalt  }
0x82: {  	_ =	shalt  }
0x83: {  	_ =	shalt  }
0x84: {  	_ =	shalt  }
0x85: {  	_ =	shalt  }
0x86: {  	_ =	shalt  }
0x87: {  	_ =	shalt  }
.Lfunc_end0:
.L_simem_size_0:
called_computation.1_lowered:
.L_overlay_start_0:
0x88: {  	s2 =	sld [smem:$0x3FD9]  }
0x89: {  	s3 =	sld [smem:$0x3FFE];
	_ =	sdelay $0x1  }
0x8a: {  	s1 =	srdreg.scid  }
0x8b: {  	s0 =	sand.u32 $0x1, s1  }
0x8c: {  	s16 =	sshll.u32 s0, $0xA;
	s2 =	sadd.s32 s3, s2  }
0x8d: {  	s2 =	sadd.s32 s2, s16  }
0x8e: {  	[smem:$0x3FBE] =	sst s2  }
0x8f: {  	_ = 	snop  }
0x90: {  	(tm) =	ssettm $0x1  }
0x91: {  	s17 =	sld [smem:$0x3FFB];
	_ =	sdelay $0x3  }
0x92: {  	_ =	strace s17  }
0x93: {  	s2 =	sld [smem:$0x3FFC];
	_ =	sdelay $0x3  }
0x94: {  	_ =	strace s2  }
0x95: {  	s2 =	sld [smem:$0x3FFD];
	_ =	sdelay $0x3  }
0x96: {  	_ =	strace s2  }
0x97: {  	_ =	strace $0x8FFFFFFF  }
0x98: {  	s18 =	sld [smem:$0x3FDB];
	_ =	sdelay $0x1  }
0x99: {  	s19 =	simm.s32 $_scs_section_size  }
0x9a: {  	s4 =	simm.s32 $_size__tile_overlayer_lowered;
	s5 =	simm.s32 $_tile_overlayer_lowered  }
0x9b: {  	s22 =	simm.s32 $0x1BFF;
	s21 =	sshll.u32 s5, $0x1;
	s2 =	sadd.s32 s19, s18  }
0x9c: {  	s6 =	simm.s32 $0x0;
	s20 =	sshll.u32 s4, $0x1;
	s4 =	sadd.s32 s21, s2  }
0x9d: {  	[timem:s6], [sflag:s22] =	dma.local [hbm:s4], s20  }
0x9e: {  	_ =	swait.ge [sflag:s22], s20  }
0x9f: {  	s3 =	ssub.s32 $0x0, s20;
	[sflag:s22] =	ssyncset.done $0x0  }
0xa0: {  	[sflag:s22] =	ssyncadd.s32 s3;
	_ =	sdelay $0x1  }
0xa1: {  	s23 =	simm.s32 $0x1B8B  }
0xa2: {  	_ =	swait.ge [sflag:s23], $0x1  }
0xa3: {  	[sflag:s23] =	ssyncset.done $0x0  }
0xa4: {  	s25 =	simm.s32 $0x1B8E;
	s24 =	sld [smem:$0x3FFE];
	[sflag:s23] =	ssyncadd.s32 $0xFFFFFFFF  }
0xa5: {  	s26 =	simm.s32 $execute0_lowered;
	[smem:$0x3FD2] =	sst s25  }
0xa6: {  	s4 =	sshll.u32 s26, $0x1;
	_ =	strace $0x80000049;
	[dreg:$0x1] =	wrdreg $0xFFFFFFFF  }
0xa7: {  	s28 =	simm.s32 $_size_execute0_lowered;
	s2 =	sadd.s32 s2, s4;
	[dreg:$0x0] =	wrdreg $0x0  }
0xa8: {  	s4 =	sshll.u32 s28, $0x1;
	[dreg:$0x2] =	wrdreg s2  }
0xa9: {  	[dreg:$0x3] =	wrdreg s4  }
0xaa: {  	[dreg:$0x4] =	wrdreg $0xC0  }
0xab: {  	_ =	task [dreg:s6], $0x5FFFF  }
0xac: {  	[dreg:$0x1] =	wrdreg $0xFFFFFFFF  }
0xad: {  	[dreg:$0x0] =	wrdreg $0x60  }
0xae: {  	[dreg:$0x2] =	wrdreg s24  }
0xaf: {  	[dreg:$0x3] =	wrdreg $0xA0800  }
0xb0: {  	[dreg:$0x4] =	wrdreg $0x9  }
0xb1: {  	_ =	task.clear_ibuf [dreg:s6], $0x5FFFF;
	_ =	strace $0x90000049  }
0xb2: {  	s29 =	simm.s32 $0x9;
	_ =	strace $0x8000004B  }
0xb3: {  	_ =	swait.ge [sflag:s29], $0x1  }
0xb4: {  	[sflag:s29] =	ssyncadd.s32 $0xFFFFFFFF  }
0xb5: {  	_ =	strace $0x9000004B  }
0xb6: {  	_ =	sfence  }
0xb7: {  	s30 =	sld [smem:$0x0];
	_ =	sdelay $0x2  }
0xb8: {  	s31 =	sshll.u32 s1, $0xD;
	s1 =	sshrl.u32 s1, $0x2  }
0xb9: {  	s3 =	sand.u32 $0x4000, s31;
	s1 =	sadd.s32 s1, s30  }
0xba: {  	s0 =	sor.u32 s3, s0;
	s1 =	sshll.u32 s1, $0x11  }
0xbb: {  	s0 =	sor.u32 s1, s0  }
0xbc: {  	s0 =	sadd.s32 $0x8F2B, s0  }
0xbd: {  	[sflag:s0] =	ssyncadd.remote.s32 $0x1  }
0xbe: {  	_ =	sfence.sel $0xFFFF  }
0xbf: {  	[dreg:$0x0] =	wrdreg $0xFFFFFFFF;
	(pc) =	sbr.abs _section_cstart, $3  }
0xc0: {  	[dreg:$0x1] =	wrdreg $0xFFFFFFFF  }
0xc1: {  	_ =	task.clear_ibuf [dreg:s6], $0x2FFFF;
	_ =	strace $0x9FFFFFFF  }
0xc2: {  	(tm) =	ssettm $0x7FFFFFFF  }
0xc3: {  	_ =	shalt  }
tec
execute0_lowered:
.L_overlay_start_1:
0x0: {  	(tag) =	ssettag $0x1  }
0x1: {  	s6 =	rddreg [dreg:$0x0];
	s0 =	stileid.u32  }
0x2: {  	s1 =	srdreg.scid;
	s2 =	rddreg [dreg:$0x1];
	s3 =	simm.s32 $0x0  }
0x3: {  	s17 =	simm.s32 $0x2;
	s18 =	simm.s32 $0x80;
	s19 =	simm.s32 $0x1  }
0x4: {  	s5 =	smul.u32 $0x600, s0;
	s16 =	sand.u32 $0x1, s1;
	s1 =	rddreg [dreg:$0x2]  }
0x5: {  	s20 =	simm.s32 $0x0;
	[smem:$0x7FF] =	sst s3;
	s8 =	smul.u32 $0x14000, s0  }
0x6: {  	s9 =	sshll.u32 s0, $0xA;
	s10 =	smul.u32 $0x50000, s0;
	s4 =	sadd.s32 $0x15C00, s6  }
0x7: {  	s7 =	smul.u32 $0x140000, s16;
	_ =	strace $0x8000004A;
	s11 =	sadd.s32 s9, s6  }
0x8: {  	s28 =	ssub.s32 $0x2, s16;
	p0 =	sne.s32 s16, $0x0;
	s16 =	simm.s32 $0x6000  }
0x9: {  	s13 =	sadd.s32 s5, s6;
	s29 =	sshrl.u32 s10, $0x2;
	s31 =	sshrl.u32 s28, $0x1  }
0xa: {  	s10 =	sadd.s32 $0x11C00, s11;
	s11 =	sadd.s32 $0xDC00, s11;
	s26 =	sadd.s32 s8, s7  }
0xb: {  	s5 =	sadd.s32 s29, s2;
	s15 =	ssub.s32 s28, s31;
	s12 =	sadd.s32 $0x7C00, s13  }
0xc: {  	s13 =	sadd.s32 $0x1C00, s13;
	s30 =	sshrl.u32 s26, $0x3;
	s7 =	sadd.s32 $0x8000, s5  }
0xd: {  	s8 =	sadd.s32 $0xC000, s5;
	s9 =	sadd.s32 $0x10000, s5;
	s14 =	sadd.s32 s30, s6  }
0xe: {  	v0 =	vimm.f32 $0.0e+00;
	v1 =	vimm.f32 $1.000000000e+00;
	s15 =	smax.u32 s15, $0x1;
	s6 =	sadd.s32 $0x4000, s5;
	s14 =	sadd.s32 $0x3CE00, s14  }
.LBB2_1:
0xf: {  	s21 =	sand.u32 $0xFE00, s3  }
0x10: {  	s22 =	sand.u32 $0x70, s3;
	s23 =	sshrl.u32 s21, $0x2  }
0x11: {  	s21 =	simm.s32 $0x40;
	s23 =	sor.u32 s22, s23;
	s22 =	simm.s32 $0x0  }
.LBB2_2:
0x12: {  	p1 =	sne.s32 s21, $0xFFC0  }
0x13: {  	[tilespmem:s23+$0x6000] =	vst v0;
	s22 =	sadd.s32 $0x10, s22;
	s23 =	smov.u32 s21;
	s21 =	sadd.s32 $0x40, s21  }
.Ltmp0:
0x14: {  	(pc) =	sbr.rel @p1 .LBB2_2-.Ltmp0, $4  }
0x15: {  	_ = 	snop  }
0x16: {  	s23 =	sand.u32 $0xFE00, s23  }
0x17: {  	s24 =	sand.u32 $0x70, s22;
	s23 =	sshrl.u32 s23, $0x2  }
0x18: {  	s23 =	sor.u32 s24, s23  }
0x19: {  	[tilespmem:s23+$0x6000] =	vst v0  }
0x1a: {  	[tilespmem:$0xA000] =	vst v1  }
0x1b: {  	[tilespmem:$0xA010] =	vst v1  }
0x1c: {  	[tilespmem:$0xA020] =	vst v1  }
0x1d: {  	[tilespmem:$0xA030] =	vst v1  }
0x1e: {  	[tilespmem:$0xA040] =	vst v1  }
0x1f: {  	[tilespmem:$0xA050] =	vst v1  }
0x20: {  	[tilespmem:$0xA060] =	vst v1  }
0x21: {  	[tilespmem:$0xA070] =	vst v1  }
0x22: {  	[spmem:s5] =	stream.linear.scatter [tilespmem:s16], [sflag:$0x2], $0x4000, $0x38;
	[tilespmem:$0x1E080] =	vst v63  }
0x23: {  	_ =	swait.ge [sflag:s17], $0x4000  }
0x24: {  	[sflag:s17] =	ssyncset.done $0x0  }
0x25: {  	[sflag:s17] =	ssyncadd.s32 $0xFFFFC000  }
0x26: {  	[spmem:s6] =	stream.linear.scatter [tilespmem:s16], [sflag:$0x2], $0x4000, $0x38;
	[tilespmem:$0x1E080] =	vst v63  }
0x27: {  	_ =	swait.ge [sflag:s17], $0x4000  }
0x28: {  	[sflag:s17] =	ssyncset.done $0x0  }
0x29: {  	[sflag:s17] =	ssyncadd.s32 $0xFFFFC000  }
0x2a: {  	[spmem:s7] =	stream.linear.scatter [tilespmem:s16], [sflag:$0x2], $0x4000, $0x38;
	[tilespmem:$0x1E080] =	vst v63  }
0x2b: {  	_ =	swait.ge [sflag:s17], $0x4000  }
0x2c: {  	[sflag:s17] =	ssyncset.done $0x0  }
0x2d: {  	[sflag:s17] =	ssyncadd.s32 $0xFFFFC000  }
0x2e: {  	[spmem:s8] =	stream.linear.scatter [tilespmem:s16], [sflag:$0x2], $0x4000, $0x38;
	[tilespmem:$0x1E080] =	vst v63  }
0x2f: {  	_ =	swait.ge [sflag:s17], $0x4000  }
0x30: {  	[sflag:s17] =	ssyncset.done $0x0  }
0x31: {  	[sflag:s17] =	ssyncadd.s32 $0xFFFFC000  }
0x32: {  	[spmem:s9] =	stream.linear.scatter [tilespmem:s16], [sflag:$0x2], $0x4000, $0x38;
	[tilespmem:$0x1E080] =	vst v63  }
0x33: {  	_ =	swait.ge [sflag:s17], $0x4000  }
0x34: {  	[sflag:s17] =	ssyncset.done $0x0  }
0x35: {  	[sflag:s17] =	ssyncadd.s32 $0xFFFFC000  }
0x36: {  	s21 =	simm.s32 @p0 $0x0;
	s22 =	simm.s32 @p0 $0x2;
	[bflag:$0x0] =	sbarrier.arrive $0xFFFF  }
0x37: {  	[tilespmem:s21], [sflag:$0x2] =	stream.linear.gather @p0 [hbm4b:s10+s21], $0x1F80, $0x38;
	[tilespmem:$0x1E080] =	vst v63  }
0x38: {  	_ =	swait.ge @p0 [sflag:s22], $0x1F80  }
0x39: {  	[sflag:s22] =	ssyncset.done @p0 $0x0  }
0x3a: {  	s23 =	simm.s32 @p0 $0x3000;
	[sflag:s22] =	ssyncadd.s32 @p0 $0xFFFFE080  }
0x3b: {  	[tilespmem:s23], [sflag:$0x2] =	stream.linear.gather @p0 [hbm4b:s11+s21], $0x1F80, $0x38;
	[tilespmem:$0x1E080] =	vst v63  }
0x3c: {  	_ =	swait.ge @p0 [sflag:s22], $0x1F80  }
0x3d: {  	[sflag:s22] =	ssyncset.done @p0 $0x0  }
0x3e: {  	s21 =	simm.s32 @!p0 $0x0;
	[sflag:s22] =	ssyncadd.s32 @p0 $0xFFFFE080;
	s22 =	simm.s32 @!p0 $0x2  }
0x3f: {  	[tilespmem:s21], [sflag:$0x2] =	stream.linear.gather @!p0 [hbm4b:s12+s21], $0x2F00, $0x38;
	[tilespmem:$0x1E080] =	vst v63  }
0x40: {  	_ =	swait.ge @!p0 [sflag:s22], $0x2F00  }
0x41: {  	[sflag:s22] =	ssyncset.done @!p0 $0x0  }
0x42: {  	s23 =	simm.s32 @!p0 $0x3000;
	[sflag:s22] =	ssyncadd.s32 @!p0 $0xFFFFD100  }
0x43: {  	[tilespmem:s23], [sflag:$0x2] =	stream.linear.gather @!p0 [hbm4b:s13+s21], $0x2F00, $0x38;
	[tilespmem:$0x1E080] =	vst v63  }
0x44: {  	_ =	swait.ge @!p0 [sflag:s22], $0x2F00  }
0x45: {  	s23 =	simm.s32 @!p0 $0x5E;
	[sflag:s22] =	ssyncset.done @!p0 $0x0  }
0x46: {  	s21 =	simm.s32 $0x0;
	s23 =	simm.s32 @p0 $0x3F;
	[sflag:s22] =	ssyncadd.s32 @!p0 $0xFFFFD100  }
0x47: {  	[tilespmem:s16], [sflag:$0x1] =	stream.indirect.gather [hbm4b:s4+s18], $0x80, s21, s18, $0xb8;
	[tilespmem:$0x1E080] =	vst v63  }
0x48: {  	p1 =	sne.s32 s23, $0x1;
	_ =	swait.ge [sflag:s19], $0x4000  }
.Ltmp1:
0x49: {  	[sflag:s19] =	ssyncset.done $0x0;
	(pc) =	sbr.rel @!p1 .LBB2_5-.Ltmp1, $4  }
0x4a: {  	s22 =	simm.s32 $0x3000;
	[sflag:s19] =	ssyncadd.s32 $0xFFFFC000  }
0x4b: {  	[spmem:s2] =	stream.indirect.scatter.add.f32 [tilespmem:s16], [sflag:$0x2], $0x80, s22, s18, $0xb8;
	[tilespmem:$0x1E080] =	vst v63  }
0x4c: {  	_ =	swait.ge [sflag:s17], $0x4000  }
0x4d: {  	s23 =	sadd.s32 $0xFFFFFFFF, s23;
	[sflag:s17] =	ssyncset.done $0x0  }
.LBB2_4:
0x4e: {  	[sflag:s17] =	ssyncadd.s32 $0xFFFFC000;
	s21 =	sadd.s32 $0x80, s21;
	s22 =	sadd.s32 $0x80, s22  }
0x4f: {  	[tilespmem:s16], [sflag:$0x1] =	stream.indirect.gather [hbm4b:s4+s18], $0x80, s21, s18, $0xb8;
	[tilespmem:$0x1E080] =	vst v63  }
0x50: {  	p1 =	sne.s32 s23, $0x1;
	s23 =	sadd.s32 $0xFFFFFFFF, s23;
	_ =	swait.ge [sflag:s19], $0x4000  }
.Ltmp2:
0x51: {  	[sflag:s19] =	ssyncset.done $0x0;
	(pc) =	sbr.rel @p1 .LBB2_4-.Ltmp2, $4  }
0x52: {  	[sflag:s19] =	ssyncadd.s32 $0xFFFFC000  }
0x53: {  	[spmem:s2] =	stream.indirect.scatter.add.f32 [tilespmem:s16], [sflag:$0x2], $0x80, s22, s18, $0xb8;
	[tilespmem:$0x1E080] =	vst v63  }
0x54: {  	_ =	swait.ge [sflag:s17], $0x4000  }
0x55: {  	[sflag:s17] =	ssyncset.done $0x0  }
.LBB2_5:
0x56: {  	[sflag:s17] =	ssyncadd.s32 $0xFFFFC000;
	s20 =	sadd.s32 $0x1, s20  }
0x57: {  	s21 =	sshll.u32 s0, $0x6;
	s22 =	sshrl.u32 s5, $0x3;
	p1 =	sne.s32 s20, s15  }
.Ltmp3:
0x58: {  	[bflag:$0x0] =	sbarrier.arrive $0xFFFF;
	s21 =	sor.u32 $0x1C02, s21;
	(pc) =	sbr.rel @p1 .LBB2_1-.Ltmp3, $4  }
0x59: {  	[hbm:s14], [sflag:s21] =	dma.local [spmem:s22], $0x2800  }
0x5a: {  	_ =	swait.ge [sflag:s17], $0x2800  }
0x5b: {  	[sflag:s17] =	ssyncset.done $0x0  }
0x5c: {  	[sflag:s17] =	ssyncadd.s32 $0xFFFFD800  }
0x5d: {  	_ =	sfence.sel $0x180000  }
0x5e: {  	[bflag:$0x0] =	sbarrier.arrive $0xFFFF  }
0x5f: {  	p0 =	sne.s32 s0, $0x0;
	_ =	strace $0x9000004A  }
0x60: {  	s0 =	sadd.s32 @!p0 $0x100000, s1;
	[bflag:$0x2] =	sbarrier.arrive $0xFFFF  }
0x61: {  	[sflag:s0] =	ssyncadd.tile.s32 @!p0 $0x1;
	_ =	shalt  }
.Lfunc_end2:
_tile_overlayer_lowered:
.L_overlay_start_2:
0x62: {  	(tag) =	ssettag $0x2  }
0x63: {  	s0 =	rddreg [dreg:$0x0];
	s2 =	stileid.u32  }
0x64: {  	s1 =	rddreg [dreg:$0x1];
	p0 =	sne.s32 s2, $0x0  }
0x65: {  	s3 =	rddreg [dreg:$0x2];
	[bflag:$0x3] =	sbarrier.arrive $0xFFFF;
	s2 =	simm.s32 @!p0 $0x1C02  }
0x66: {  	[timem:s3], [sflag:s2] =	dma.local @!p0 [hbm:s0], s1  }
0x67: {  	s0 =	simm.s32 @!p0 $0x2  }
0x68: {  	_ =	swait.ge @!p0 [sflag:s0], s1  }
0x69: {  	s1 =	ssub.s32 @!p0 $0x0, s1;
	[sflag:s0] =	ssyncset.done @!p0 $0x0  }
0x6a: {  	[sflag:s0] =	ssyncadd.s32 @!p0 s1  }
0x6b: {  	[bflag:$0x3] =	sbarrier.arrive $0xFFFF  }
0x6c: {  	_ =	shalt  }

</sc_bundles>
